<compile_context>
chip_gen: v7x
topology: tpu7x:2x2x1
jax: 0.10.2.dev20260603
libtpu: 0.0.44.dev20260713+nightly
codegen_flags: <defaults>
</compile_context>

<pallas_src>
import functools

import jax
import jax.numpy as jnp
from jax import lax
from jax.experimental import pallas as pl
from jax.experimental.pallas import tpu as pltpu
from jax.experimental.pallas import tpu_sc as plsc

B = 16384
D = 64

_N_TILE, _N_PORT, _N_STRUCT, _N_ROAD = 1368, 54, 432, 11664
_OFF_T, _OFF_P, _OFF_S, _OFF_R = 0, 1368, 1424, 1856
_NT = 13520

_W = (19, 9, 54, 72)
_W8 = (24, 16, 56, 72)
_COL = (0, 19, 28, 82)

_NC, _NS = 2, 16
_NW = _NC * _NS
_BPW = B // _NW
_CB = 8
_NCHUNK = _BPW // _CB


def _table_body(tiletype, resource, dicenum, position, tw, tb,
                port_res, port_pos, pw, pb,
                owner, stype, node, sw, sb, rw, rb, out_ref):
    f32 = jnp.float32

    def proj(e_ref, w_ref, k):
        return lax.dot_general(e_ref[...], w_ref[64 * k:64 * (k + 1), :],
                               (((1,), (0,)), ((), ())),
                               preferred_element_type=f32)

    def oh_mm(vals_col, n, tab):
        npad = vals_col.shape[0]
        cols = lax.broadcasted_iota(jnp.int32, (npad, n), 1)
        return lax.dot_general((cols == vals_col).astype(f32), tab,
                               (((1,), (0,)), ((), ())),
                               preferred_element_type=f32)

    def const_row(ttype_row, w_ref, k, b_ref):
        return lax.dot_general(ttype_row, w_ref[64 * k:64 * (k + 1), :],
                               (((1,), (0,)), ((), ())),
                               preferred_element_type=f32) + b_ref[...]

    tt = tiletype[...]

    r = lax.broadcasted_iota(jnp.int32, (_N_TILE, 1), 0)
    tiles_tab = (oh_mm(r // 228, 6, proj(resource, tw, 0))
                 + oh_mm((r // 19) % 12, 12, proj(dicenum, tw, 1))
                 + oh_mm(r % 19, 19, proj(position, tw, 2))
                 + const_row(tt[0:1, :], tw, 3, tb))
    out_ref[0:_N_TILE, :] = tiles_tab

    r = lax.broadcasted_iota(jnp.int32, (56, 1), 0)
    ports_tab = (oh_mm(r // 9, 6, proj(port_res, pw, 0))
                 + oh_mm(r % 9, 9, proj(port_pos, pw, 1))
                 + const_row(tt[1:2, :], pw, 2, pb))
    out_ref[_OFF_P:_OFF_P + 56, :] = ports_tab

    r = lax.broadcasted_iota(jnp.int32, (_N_STRUCT, 1), 0)
    struct_tab = (oh_mm(r // 108, 4, proj(owner, sw, 0))
                  + oh_mm((r // 54) % 2, 2, proj(stype, sw, 1))
                  + oh_mm(r % 54, 54, proj(node, sw, 2))
                  + const_row(tt[2:3, :], sw, 3, sb))
    out_ref[_OFF_S:_OFF_S + _N_STRUCT, :] = struct_tab

    r = lax.broadcasted_iota(jnp.int32, (_N_ROAD, 1), 0)
    roads_tab = (oh_mm(r // 2916, 4, proj(owner, rw, 0))
                 + oh_mm((r // 54) % 54, 54, proj(node, rw, 1))
                 + oh_mm(r % 54, 54, proj(node, rw, 2))
                 + const_row(tt[3:4, :], rw, 3, rb))
    out_ref[_OFF_R:_OFF_R + _N_ROAD, :] = roads_tab


def _build_table(tiletype_embed, resource_embed, dicenum_embed, position_embed,
                 tile_proj_w, tile_proj_b, port_resource_embed,
                 port_position_embed, port_proj_w, port_proj_b, owner_embed,
                 structure_type_embed, node_pos_embed, struct_proj_w,
                 struct_proj_b, road_proj_w, road_proj_b):
    return pl.pallas_call(
        _table_body,
        out_shape=jax.ShapeDtypeStruct((_NT, D), jnp.float32),
    )(tiletype_embed, resource_embed, dicenum_embed, position_embed,
      tile_proj_w, tile_proj_b.reshape(1, D), port_resource_embed,
      port_position_embed, port_proj_w, port_proj_b.reshape(1, D),
      owner_embed, structure_type_embed, node_pos_embed, struct_proj_w,
      struct_proj_b.reshape(1, D), road_proj_w, road_proj_b.reshape(1, D))


def _cidx_body(tr, td, tp, pr, pp, so, st, sp, ro, ra, rb, out):
    out[:, 0:19] = (tr[...] * 12 + td[...]) * 19 + tp[...]
    out[:, 19:28] = _OFF_P + pr[...] * 9 + pp[...]
    out[:, 28:82] = _OFF_S + (so[...] * 2 + st[...]) * 54 + sp[...]
    out[:, 82:154] = _OFF_R + (ro[...] * 54 + ra[...]) * 54 + rb[...]


def _build_cidx(tile_resource, tile_dicenum, tile_pos, port_resource, port_pos,
                struct_owner, struct_type, struct_pos, road_owner, road_a,
                road_b):
    blk = 512
    grid = (B // blk,)

    def spec(w):
        return pl.BlockSpec((blk, w), lambda i: (i, 0))

    in_w = (19, 19, 19, 9, 9, 54, 54, 54, 72, 72, 72)
    return pl.pallas_call(
        _cidx_body,
        grid=grid,
        in_specs=[spec(w) for w in in_w],
        out_specs=spec(154),
        out_shape=jax.ShapeDtypeStruct((B, 154), jnp.int32),
    )(tile_resource, tile_dicenum, tile_pos, port_resource, port_pos,
      struct_owner, struct_type, struct_pos, road_owner, road_a, road_b)


_RPW = (B // _NW) * 154
_RC = 704
_NCH = _RPW // _RC


def _sc_gather_body(table, cidx, out, shared_tab, idxb, stage, sem):
    cid = lax.axis_index("c")
    sid = lax.axis_index("s")
    wid = sid * _NC + cid

    @pl.when(sid == 0)
    def _():
        pltpu.sync_copy(table, shared_tab)
    plsc.subcore_barrier()

    base = wid * _RPW

    def chunk_body(g, carry):
        r0 = base + g * _RC
        pltpu.sync_copy(cidx.at[pl.ds(r0, _RC)], idxb)
        cps = []
        for p0 in range(0, _RC, 128):
            n = min(128, _RC - p0)
            cps.append(pltpu.async_copy(
                shared_tab.at[idxb.at[pl.ds(p0, n)]],
                stage.at[pl.ds(p0, n)], sem))
        for c in cps:
            c.wait()
        pltpu.sync_copy(stage, out.at[pl.ds(r0, _RC)])
        return carry

    lax.fori_loop(0, _NCH, chunk_body, 0)


@functools.cache
def _sc_gather():
    return pl.kernel(
        _sc_gather_body,
        out_type=jax.ShapeDtypeStruct((B * 154, D), jnp.float32),
        mesh=plsc.VectorSubcoreMesh(core_axis_name="c", subcore_axis_name="s",
                                    num_cores=_NC, num_subcores=_NS),
        compiler_params=pltpu.CompilerParams(use_tc_tiling_on_sc=False),
        scratch_types=[
            pltpu.VMEM_SHARED((_NT, D), jnp.float32),
            pltpu.VMEM((_RC,), jnp.int32),
            pltpu.VMEM((_RC, D), jnp.float32),
            pltpu.SemaphoreType.DMA,
        ],
    )


def kernel(tile_resource, tile_dicenum, tile_pos, port_resource, port_pos,
           struct_owner, struct_type, struct_pos, road_owner, road_a, road_b,
           tiletype_embed, resource_embed, dicenum_embed, position_embed,
           tile_proj_w, tile_proj_b, port_resource_embed, port_position_embed,
           port_proj_w, port_proj_b, owner_embed, structure_type_embed,
           node_pos_embed, struct_proj_w, struct_proj_b, road_proj_w,
           road_proj_b):
    table = _build_table(
        tiletype_embed, resource_embed, dicenum_embed, position_embed,
        tile_proj_w, tile_proj_b, port_resource_embed, port_position_embed,
        port_proj_w, port_proj_b, owner_embed, structure_type_embed,
        node_pos_embed, struct_proj_w, struct_proj_b, road_proj_w, road_proj_b)
    cidx = _build_cidx(
        tile_resource, tile_dicenum, tile_pos, port_resource, port_pos,
        struct_owner, struct_type, struct_pos, road_owner, road_a, road_b)
    out = _sc_gather()(table, cidx.reshape(-1))
    return out.reshape(B, 154, D)

# --- scband reference (transcript-rebuilt; emitter-appended) ---
"""Pipeline reference for scband-board-embedding-concat-68762426409582 (READ-ONLY COPY).

The authoritative reference and input builder live on the scoring server;
editing this copy changes nothing except your own understanding.
"""

import jax, jax.numpy as jnp
import numpy as np

B = 16384
D = 64


def setup_inputs(seed: int = 0) -> dict:
    key = jax.random.key(seed)
    ks = jax.random.split(key, 32)
    inp = {}
    inp["tile_resource"] = jax.random.randint(ks[0], (B, 19), 0, 6, dtype=jnp.int32)
    inp["tile_dicenum"] = jax.random.randint(ks[1], (B, 19), 0, 12, dtype=jnp.int32)
    inp["tile_pos"] = jax.random.randint(ks[2], (B, 19), 0, 19, dtype=jnp.int32)
    inp["port_resource"] = jax.random.randint(ks[3], (B, 9), 0, 6, dtype=jnp.int32)
    inp["port_pos"] = jax.random.randint(ks[4], (B, 9), 0, 9, dtype=jnp.int32)
    inp["struct_owner"] = jax.random.randint(ks[5], (B, 54), 0, 4, dtype=jnp.int32)
    inp["struct_type"] = jax.random.randint(ks[6], (B, 54), 0, 2, dtype=jnp.int32)
    inp["struct_pos"] = jax.random.randint(ks[7], (B, 54), 0, 54, dtype=jnp.int32)
    inp["road_owner"] = jax.random.randint(ks[8], (B, 72), 0, 4, dtype=jnp.int32)
    inp["road_a"] = jax.random.randint(ks[9], (B, 72), 0, 54, dtype=jnp.int32)
    inp["road_b"] = jax.random.randint(ks[10], (B, 72), 0, 54, dtype=jnp.int32)
    s = 0.02
    inp["tiletype_embed"] = jax.random.normal(ks[11], (4, D), dtype=jnp.float32) * s
    inp["resource_embed"] = jax.random.normal(ks[12], (6, D), dtype=jnp.float32) * s
    inp["dicenum_embed"] = jax.random.normal(ks[13], (12, D), dtype=jnp.float32) * s
    inp["position_embed"] = jax.random.normal(ks[14], (19, D), dtype=jnp.float32) * s
    inp["tile_proj_w"] = jax.random.normal(ks[15], (4 * D, D), dtype=jnp.float32) * s
    inp["tile_proj_b"] = jnp.zeros((D,), dtype=jnp.float32)
    inp["port_resource_embed"] = jax.random.normal(ks[16], (6, D), dtype=jnp.float32) * s
    inp["port_position_embed"] = jax.random.normal(ks[17], (9, D), dtype=jnp.float32) * s
    inp["port_proj_w"] = jax.random.normal(ks[18], (3 * D, D), dtype=jnp.float32) * s
    inp["port_proj_b"] = jnp.zeros((D,), dtype=jnp.float32)
    inp["owner_embed"] = jax.random.normal(ks[19], (4, D), dtype=jnp.float32) * s
    inp["structure_type_embed"] = jax.random.normal(ks[20], (2, D), dtype=jnp.float32) * s
    inp["node_pos_embed"] = jax.random.normal(ks[21], (54, D), dtype=jnp.float32) * s
    inp["struct_proj_w"] = jax.random.normal(ks[22], (4 * D, D), dtype=jnp.float32) * s
    inp["struct_proj_b"] = jnp.zeros((D,), dtype=jnp.float32)
    inp["road_proj_w"] = jax.random.normal(ks[23], (4 * D, D), dtype=jnp.float32) * s
    inp["road_proj_b"] = jnp.zeros((D,), dtype=jnp.float32)
    return inp


def reference(tile_resource, tile_dicenum, tile_pos, port_resource, port_pos,
              struct_owner, struct_type, struct_pos, road_owner, road_a, road_b,
              tiletype_embed, resource_embed, dicenum_embed, position_embed,
              tile_proj_w, tile_proj_b, port_resource_embed, port_position_embed,
              port_proj_w, port_proj_b, owner_embed, structure_type_embed,
              node_pos_embed, struct_proj_w, struct_proj_b, road_proj_w, road_proj_b):
    tiles_cat = jnp.concatenate([
        jnp.take(resource_embed, tile_resource, axis=0),
        jnp.take(dicenum_embed, tile_dicenum, axis=0),
        jnp.take(position_embed, tile_pos, axis=0),
        jnp.take(tiletype_embed, jnp.zeros_like(tile_resource), axis=0),
    ], axis=-1)
    tiles = tiles_cat @ tile_proj_w + tile_proj_b
    ports_cat = jnp.concatenate([
        jnp.take(port_resource_embed, port_resource, axis=0),
        jnp.take(port_position_embed, port_pos, axis=0),
        jnp.take(tiletype_embed, jnp.ones_like(port_resource), axis=0),
    ], axis=-1)
    ports = ports_cat @ port_proj_w + port_proj_b
    struct_cat = jnp.concatenate([
        jnp.take(owner_embed, struct_owner, axis=0),
        jnp.take(structure_type_embed, struct_type, axis=0),
        jnp.take(node_pos_embed, struct_pos, axis=0),
        jnp.take(tiletype_embed, jnp.ones_like(struct_owner) * 2, axis=0),
    ], axis=-1)
    structures = struct_cat @ struct_proj_w + struct_proj_b
    road_cat = jnp.concatenate([
        jnp.take(owner_embed, road_owner, axis=0),
        jnp.take(node_pos_embed, road_a, axis=0),
        jnp.take(node_pos_embed, road_b, axis=0),
        jnp.take(tiletype_embed, jnp.ones_like(road_owner) * 3, axis=0),
    ], axis=-1)
    roads = road_cat @ road_proj_w + road_proj_b
    return jnp.concatenate([tiles, ports, structures, roads], axis=1)

if __name__ == "__main__":
    import jax
    _d = setup_inputs()
    print(jax.jit(kernel)(*tuple(_d.values())))

</pallas_src>

<mosaic_0001>
#map = affine_map<(d0, d1) -> (0, 0)>
#map1 = affine_map<(d0, d1) -> (0)>
module attributes {stable_mosaic.version = 14 : i64} {
  func.func @_sc_gather_body(%arg0: i32, %arg1: i32, %arg2: memref<13520x64xf32, #tpu.memory_space<hbm>>, %arg3: memref<2523136xi32, #tpu.memory_space<hbm>>, %arg4: memref<2523136x64xf32, #tpu.memory_space<hbm>>, %arg5: memref<13520x64xf32, #tpu.memory_space<vmem_shared>>, %arg6: memref<704xi32, #tpu.memory_space<vmem>>, %arg7: memref<704x64xf32, #tpu.memory_space<vmem>>, %arg8: memref<!tpu.dma_semaphore, #tpu.memory_space<semaphore_mem>>) attributes {dimension_semantics = [#tpu.dimension_semantics<core_parallel>, #tpu.dimension_semantics<subcore_parallel>], iteration_bounds = array<i64: 2, 16>, scalar_prefetch = 0 : i64, scratch_operands = 4 : i64, tpu.core_type = #tpu.core_type<sc_vector_subcore>, window_params = [{transform_indices = #map}, {transform_indices = #map1}, {transform_indices = #map}]} {
    %mul3A = arith.constant 2 : i32
    %mul3A_0 = arith.muli %arg1, %mul3A : i32
    %add3A = arith.addi %mul3A_0, %arg0 : i32
    %eq3A = arith.constant 0 : i32
    %eq3A_1 = arith.cmpi eq, %arg1, %eq3A : i32
    %convert_element_type3A = arith.extui %eq3A_1 : i1 to i32
    %cond3A = arith.constant 0 : i32
    %cond3A_2 = arith.cmpi ne, %convert_element_type3A, %cond3A : i32
    scf.if %cond3A_2 {
      "tpu.region"() ({
        %run_scoped3A = tpu.sem_alloc : memref<!tpu.dma_semaphore, #tpu.memory_space<semaphore_mem>>
        tpu.enqueue_dma source(%arg2 : memref<13520x64xf32, #tpu.memory_space<hbm>>) target(%arg5 : memref<13520x64xf32, #tpu.memory_space<vmem_shared>>) target_semaphore(%run_scoped3A : memref<!tpu.dma_semaphore, #tpu.memory_space<semaphore_mem>>)
        tpu.wait_dma2 semaphore(%run_scoped3A : memref<!tpu.dma_semaphore, #tpu.memory_space<semaphore_mem>>) src(%arg2 : memref<13520x64xf32, #tpu.memory_space<hbm>>) dst(%arg5 : memref<13520x64xf32, #tpu.memory_space<vmem_shared>>)
        tpu.yield
      }) : () -> ()
    } else {
    }
    %barrier3A = arith.constant 0 : index
    tpu.barrier barrier_id(%barrier3A)
    %mul3A_3 = arith.constant 78848 : i32
    %mul3A_4 = arith.muli %add3A, %mul3A_3 : i32
    %scan3A = arith.constant 0 : i32
    %scan3A_5 = arith.constant 0 : i32
    %scan3A_6 = arith.constant 112 : i32
    %scan3A_7 = arith.addi %scan3A_5, %scan3A_6 : i32
    %scan3A_8 = arith.constant 1 : i32
    scf.for %scan3A_10 = %scan3A_5 to %scan3A_7 step %scan3A_8  : i32 {
      %mul3A_11 = arith.constant 704 : i32
      %mul3A_12 = arith.muli %scan3A_10, %mul3A_11 : i32
      %add3A_13 = arith.addi %mul3A_4, %mul3A_12 : i32
      "tpu.region"() ({
        %run_scoped3A = tpu.sem_alloc : memref<!tpu.dma_semaphore, #tpu.memory_space<semaphore_mem>>
        %dma_start3A_108 = tpu.memref_slice %arg3[%add3A_13] : memref<2523136xi32, #tpu.memory_space<hbm>> -> memref<704xi32, #tpu.memory_space<hbm>>
        %dma_start3A_109 = tpu.memref_slice %arg3[%add3A_13] : memref<2523136xi32, #tpu.memory_space<hbm>> -> memref<704xi32, #tpu.memory_space<hbm>>
        tpu.enqueue_dma source(%dma_start3A_109 : memref<704xi32, #tpu.memory_space<hbm>>) target(%arg6 : memref<704xi32, #tpu.memory_space<vmem>>) target_semaphore(%run_scoped3A : memref<!tpu.dma_semaphore, #tpu.memory_space<semaphore_mem>>)
        %dma_wait3A_110 = tpu.memref_slice %arg3[%add3A_13] : memref<2523136xi32, #tpu.memory_space<hbm>> -> memref<704xi32, #tpu.memory_space<hbm>>
        %dma_wait3A_111 = tpu.memref_slice %arg3[%add3A_13] : memref<2523136xi32, #tpu.memory_space<hbm>> -> memref<704xi32, #tpu.memory_space<hbm>>
        tpu.wait_dma2 semaphore(%run_scoped3A : memref<!tpu.dma_semaphore, #tpu.memory_space<semaphore_mem>>) src(%dma_wait3A_111 : memref<704xi32, #tpu.memory_space<hbm>>) dst(%arg6 : memref<704xi32, #tpu.memory_space<vmem>>)
        tpu.yield
      }) : () -> ()
      %dma_start3A = arith.constant 0 : i32
      %dma_start3A_14 = arith.constant 0 : i32
      %dma_start3A_15 = tpu.memref_slice %arg7[%dma_start3A, %dma_start3A_14] : memref<704x64xf32, #tpu.memory_space<vmem>> -> memref<128x64xf32, #tpu.memory_space<vmem>>
      %dma_start3A_16 = arith.constant 0 : i32
      %dma_start3A_17 = tpu.memref_slice %arg6[%dma_start3A_16] : memref<704xi32, #tpu.memory_space<vmem>> -> memref<128xi32, #tpu.memory_space<vmem>>
      %dma_start3A_18 = arith.constant 0 : i32
      %dma_start3A_19 = arith.constant 0 : i32
      %dma_start3A_20 = tpu.memref_slice %arg5[%dma_start3A_18, %dma_start3A_19] : memref<13520x64xf32, #tpu.memory_space<vmem_shared>> -> memref<13520x64xf32, #tpu.memory_space<vmem_shared>>
      tpu.enqueue_indirect_dma source(%dma_start3A_20 : memref<13520x64xf32, #tpu.memory_space<vmem_shared>>) target(%dma_start3A_15 : memref<128x64xf32, #tpu.memory_space<vmem>>) offsets(%dma_start3A_17 : memref<128xi32, #tpu.memory_space<vmem>>) semaphore(%arg8 : memref<!tpu.dma_semaphore, #tpu.memory_space<semaphore_mem>>)
      %dma_start3A_21 = arith.constant 128 : i32
      %dma_start3A_22 = arith.constant 0 : i32
      %dma_start3A_23 = tpu.memref_slice %arg7[%dma_start3A_21, %dma_start3A_22] : memref<704x64xf32, #tpu.memory_space<vmem>> -> memref<128x64xf32, #tpu.memory_space<vmem>>
      %dma_start3A_24 = arith.constant 128 : i32
      %dma_start3A_25 = tpu.memref_slice %arg6[%dma_start3A_24] : memref<704xi32, #tpu.memory_space<vmem>> -> memref<128xi32, #tpu.memory_space<vmem>>
      %dma_start3A_26 = arith.constant 0 : i32
      %dma_start3A_27 = arith.constant 0 : i32
      %dma_start3A_28 = tpu.memref_slice %arg5[%dma_start3A_26, %dma_start3A_27] : memref<13520x64xf32, #tpu.memory_space<vmem_shared>> -> memref<13520x64xf32, #tpu.memory_space<vmem_shared>>
      tpu.enqueue_indirect_dma source(%dma_start3A_28 : memref<13520x64xf32, #tpu.memory_space<vmem_shared>>) target(%dma_start3A_23 : memref<128x64xf32, #tpu.memory_space<vmem>>) offsets(%dma_start3A_25 : memref<128xi32, #tpu.memory_space<vmem>>) semaphore(%arg8 : memref<!tpu.dma_semaphore, #tpu.memory_space<semaphore_mem>>)
      %dma_start3A_29 = arith.constant 256 : i32
      %dma_start3A_30 = arith.constant 0 : i32
      %dma_start3A_31 = tpu.memref_slice %arg7[%dma_start3A_29, %dma_start3A_30] : memref<704x64xf32, #tpu.memory_space<vmem>> -> memref<128x64xf32, #tpu.memory_space<vmem>>
      %dma_start3A_32 = arith.constant 256 : i32
      %dma_start3A_33 = tpu.memref_slice %arg6[%dma_start3A_32] : memref<704xi32, #tpu.memory_space<vmem>> -> memref<128xi32, #tpu.memory_space<vmem>>
      %dma_start3A_34 = arith.constant 0 : i32
      %dma_start3A_35 = arith.constant 0 : i32
      %dma_start3A_36 = tpu.memref_slice %arg5[%dma_start3A_34, %dma_start3A_35] : memref<13520x64xf32, #tpu.memory_space<vmem_shared>> -> memref<13520x64xf32, #tpu.memory_space<vmem_shared>>
      tpu.enqueue_indirect_dma source(%dma_start3A_36 : memref<13520x64xf32, #tpu.memory_space<vmem_shared>>) target(%dma_start3A_31 : memref<128x64xf32, #tpu.memory_space<vmem>>) offsets(%dma_start3A_33 : memref<128xi32, #tpu.memory_space<vmem>>) semaphore(%arg8 : memref<!tpu.dma_semaphore, #tpu.memory_space<semaphore_mem>>)
      %dma_start3A_37 = arith.constant 384 : i32
      %dma_start3A_38 = arith.constant 0 : i32
      %dma_start3A_39 = tpu.memref_slice %arg7[%dma_start3A_37, %dma_start3A_38] : memref<704x64xf32, #tpu.memory_space<vmem>> -> memref<128x64xf32, #tpu.memory_space<vmem>>
      %dma_start3A_40 = arith.constant 384 : i32
      %dma_start3A_41 = tpu.memref_slice %arg6[%dma_start3A_40] : memref<704xi32, #tpu.memory_space<vmem>> -> memref<128xi32, #tpu.memory_space<vmem>>
      %dma_start3A_42 = arith.constant 0 : i32
      %dma_start3A_43 = arith.constant 0 : i32
      %dma_start3A_44 = tpu.memref_slice %arg5[%dma_start3A_42, %dma_start3A_43] : memref<13520x64xf32, #tpu.memory_space<vmem_shared>> -> memref<13520x64xf32, #tpu.memory_space<vmem_shared>>
      tpu.enqueue_indirect_dma source(%dma_start3A_44 : memref<13520x64xf32, #tpu.memory_space<vmem_shared>>) target(%dma_start3A_39 : memref<128x64xf32, #tpu.memory_space<vmem>>) offsets(%dma_start3A_41 : memref<128xi32, #tpu.memory_space<vmem>>) semaphore(%arg8 : memref<!tpu.dma_semaphore, #tpu.memory_space<semaphore_mem>>)
      %dma_start3A_45 = arith.constant 512 : i32
      %dma_start3A_46 = arith.constant 0 : i32
      %dma_start3A_47 = tpu.memref_slice %arg7[%dma_start3A_45, %dma_start3A_46] : memref<704x64xf32, #tpu.memory_space<vmem>> -> memref<128x64xf32, #tpu.memory_space<vmem>>
      %dma_start3A_48 = arith.constant 512 : i32
      %dma_start3A_49 = tpu.memref_slice %arg6[%dma_start3A_48] : memref<704xi32, #tpu.memory_space<vmem>> -> memref<128xi32, #tpu.memory_space<vmem>>
      %dma_start3A_50 = arith.constant 0 : i32
      %dma_start3A_51 = arith.constant 0 : i32
      %dma_start3A_52 = tpu.memref_slice %arg5[%dma_start3A_50, %dma_start3A_51] : memref<13520x64xf32, #tpu.memory_space<vmem_shared>> -> memref<13520x64xf32, #tpu.memory_space<vmem_shared>>
      tpu.enqueue_indirect_dma source(%dma_start3A_52 : memref<13520x64xf32, #tpu.memory_space<vmem_shared>>) target(%dma_start3A_47 : memref<128x64xf32, #tpu.memory_space<vmem>>) offsets(%dma_start3A_49 : memref<128xi32, #tpu.memory_space<vmem>>) semaphore(%arg8 : memref<!tpu.dma_semaphore, #tpu.memory_space<semaphore_mem>>)
      %dma_start3A_53 = arith.constant 640 : i32
      %dma_start3A_54 = arith.constant 0 : i32
      %dma_start3A_55 = tpu.memref_slice %arg7[%dma_start3A_53, %dma_start3A_54] : memref<704x64xf32, #tpu.memory_space<vmem>> -> memref<64x64xf32, #tpu.memory_space<vmem>>
      %dma_start3A_56 = arith.constant 640 : i32
      %dma_start3A_57 = tpu.memref_slice %arg6[%dma_start3A_56] : memref<704xi32, #tpu.memory_space<vmem>> -> memref<64xi32, #tpu.memory_space<vmem>>
      %dma_start3A_58 = arith.constant 0 : i32
      %dma_start3A_59 = arith.constant 0 : i32
      %dma_start3A_60 = tpu.memref_slice %arg5[%dma_start3A_58, %dma_start3A_59] : memref<13520x64xf32, #tpu.memory_space<vmem_shared>> -> memref<13520x64xf32, #tpu.memory_space<vmem_shared>>
      tpu.enqueue_indirect_dma source(%dma_start3A_60 : memref<13520x64xf32, #tpu.memory_space<vmem_shared>>) target(%dma_start3A_55 : memref<64x64xf32, #tpu.memory_space<vmem>>) offsets(%dma_start3A_57 : memref<64xi32, #tpu.memory_space<vmem>>) semaphore(%arg8 : memref<!tpu.dma_semaphore, #tpu.memory_space<semaphore_mem>>)
      %dma_wait3A = arith.constant 0 : i32
      %dma_wait3A_61 = arith.constant 0 : i32
      %dma_wait3A_62 = tpu.memref_slice %arg7[%dma_wait3A, %dma_wait3A_61] : memref<704x64xf32, #tpu.memory_space<vmem>> -> memref<128x64xf32, #tpu.memory_space<vmem>>
      %dma_wait3A_63 = arith.constant 0 : i32
      %dma_wait3A_64 = tpu.memref_slice %arg6[%dma_wait3A_63] : memref<704xi32, #tpu.memory_space<vmem>> -> memref<128xi32, #tpu.memory_space<vmem>>
      %dma_wait3A_65 = arith.constant 0 : i32
      %dma_wait3A_66 = arith.constant 0 : i32
      %dma_wait3A_67 = tpu.memref_slice %arg5[%dma_wait3A_65, %dma_wait3A_66] : memref<13520x64xf32, #tpu.memory_space<vmem_shared>> -> memref<13520x64xf32, #tpu.memory_space<vmem_shared>>
      tpu.wait_indirect_dma semaphore(%arg8 : memref<!tpu.dma_semaphore, #tpu.memory_space<semaphore_mem>>) src(%dma_wait3A_67 : memref<13520x64xf32, #tpu.memory_space<vmem_shared>>) dst(%dma_wait3A_62 : memref<128x64xf32, #tpu.memory_space<vmem>>)
      %dma_wait3A_68 = arith.constant 128 : i32
      %dma_wait3A_69 = arith.constant 0 : i32
      %dma_wait3A_70 = tpu.memref_slice %arg7[%dma_wait3A_68, %dma_wait3A_69] : memref<704x64xf32, #tpu.memory_space<vmem>> -> memref<128x64xf32, #tpu.memory_space<vmem>>
      %dma_wait3A_71 = arith.constant 128 : i32
      %dma_wait3A_72 = tpu.memref_slice %arg6[%dma_wait3A_71] : memref<704xi32, #tpu.memory_space<vmem>> -> memref<128xi32, #tpu.memory_space<vmem>>
      %dma_wait3A_73 = arith.constant 0 : i32
      %dma_wait3A_74 = arith.constant 0 : i32
      %dma_wait3A_75 = tpu.memref_slice %arg5[%dma_wait3A_73, %dma_wait3A_74] : memref<13520x64xf32, #tpu.memory_space<vmem_shared>> -> memref<13520x64xf32, #tpu.memory_space<vmem_shared>>
      tpu.wait_indirect_dma semaphore(%arg8 : memref<!tpu.dma_semaphore, #tpu.memory_space<semaphore_mem>>) src(%dma_wait3A_75 : memref<13520x64xf32, #tpu.memory_space<vmem_shared>>) dst(%dma_wait3A_70 : memref<128x64xf32, #tpu.memory_space<vmem>>)
      %dma_wait3A_76 = arith.constant 256 : i32
      %dma_wait3A_77 = arith.constant 0 : i32
      %dma_wait3A_78 = tpu.memref_slice %arg7[%dma_wait3A_76, %dma_wait3A_77] : memref<704x64xf32, #tpu.memory_space<vmem>> -> memref<128x64xf32, #tpu.memory_space<vmem>>
      %dma_wait3A_79 = arith.constant 256 : i32
      %dma_wait3A_80 = tpu.memref_slice %arg6[%dma_wait3A_79] : memref<704xi32, #tpu.memory_space<vmem>> -> memref<128xi32, #tpu.memory_space<vmem>>
      %dma_wait3A_81 = arith.constant 0 : i32
      %dma_wait3A_82 = arith.constant 0 : i32
      %dma_wait3A_83 = tpu.memref_slice %arg5[%dma_wait3A_81, %dma_wait3A_82] : memref<13520x64xf32, #tpu.memory_space<vmem_shared>> -> memref<13520x64xf32, #tpu.memory_space<vmem_shared>>
      tpu.wait_indirect_dma semaphore(%arg8 : memref<!tpu.dma_semaphore, #tpu.memory_space<semaphore_mem>>) src(%dma_wait3A_83 : memref<13520x64xf32, #tpu.memory_space<vmem_shared>>) dst(%dma_wait3A_78 : memref<128x64xf32, #tpu.memory_space<vmem>>)
      %dma_wait3A_84 = arith.constant 384 : i32
      %dma_wait3A_85 = arith.constant 0 : i32
      %dma_wait3A_86 = tpu.memref_slice %arg7[%dma_wait3A_84, %dma_wait3A_85] : memref<704x64xf32, #tpu.memory_space<vmem>> -> memref<128x64xf32, #tpu.memory_space<vmem>>
      %dma_wait3A_87 = arith.constant 384 : i32
      %dma_wait3A_88 = tpu.memref_slice %arg6[%dma_wait3A_87] : memref<704xi32, #tpu.memory_space<vmem>> -> memref<128xi32, #tpu.memory_space<vmem>>
      %dma_wait3A_89 = arith.constant 0 : i32
      %dma_wait3A_90 = arith.constant 0 : i32
      %dma_wait3A_91 = tpu.memref_slice %arg5[%dma_wait3A_89, %dma_wait3A_90] : memref<13520x64xf32, #tpu.memory_space<vmem_shared>> -> memref<13520x64xf32, #tpu.memory_space<vmem_shared>>
      tpu.wait_indirect_dma semaphore(%arg8 : memref<!tpu.dma_semaphore, #tpu.memory_space<semaphore_mem>>) src(%dma_wait3A_91 : memref<13520x64xf32, #tpu.memory_space<vmem_shared>>) dst(%dma_wait3A_86 : memref<128x64xf32, #tpu.memory_space<vmem>>)
      %dma_wait3A_92 = arith.constant 512 : i32
      %dma_wait3A_93 = arith.constant 0 : i32
      %dma_wait3A_94 = tpu.memref_slice %arg7[%dma_wait3A_92, %dma_wait3A_93] : memref<704x64xf32, #tpu.memory_space<vmem>> -> memref<128x64xf32, #tpu.memory_space<vmem>>
      %dma_wait3A_95 = arith.constant 512 : i32
      %dma_wait3A_96 = tpu.memref_slice %arg6[%dma_wait3A_95] : memref<704xi32, #tpu.memory_space<vmem>> -> memref<128xi32, #tpu.memory_space<vmem>>
      %dma_wait3A_97 = arith.constant 0 : i32
      %dma_wait3A_98 = arith.constant 0 : i32
      %dma_wait3A_99 = tpu.memref_slice %arg5[%dma_wait3A_97, %dma_wait3A_98] : memref<13520x64xf32, #tpu.memory_space<vmem_shared>> -> memref<13520x64xf32, #tpu.memory_space<vmem_shared>>
      tpu.wait_indirect_dma semaphore(%arg8 : memref<!tpu.dma_semaphore, #tpu.memory_space<semaphore_mem>>) src(%dma_wait3A_99 : memref<13520x64xf32, #tpu.memory_space<vmem_shared>>) dst(%dma_wait3A_94 : memref<128x64xf32, #tpu.memory_space<vmem>>)
      %dma_wait3A_100 = arith.constant 640 : i32
      %dma_wait3A_101 = arith.constant 0 : i32
      %dma_wait3A_102 = tpu.memref_slice %arg7[%dma_wait3A_100, %dma_wait3A_101] : memref<704x64xf32, #tpu.memory_space<vmem>> -> memref<64x64xf32, #tpu.memory_space<vmem>>
      %dma_wait3A_103 = arith.constant 640 : i32
      %dma_wait3A_104 = tpu.memref_slice %arg6[%dma_wait3A_103] : memref<704xi32, #tpu.memory_space<vmem>> -> memref<64xi32, #tpu.memory_space<vmem>>
      %dma_wait3A_105 = arith.constant 0 : i32
      %dma_wait3A_106 = arith.constant 0 : i32
      %dma_wait3A_107 = tpu.memref_slice %arg5[%dma_wait3A_105, %dma_wait3A_106] : memref<13520x64xf32, #tpu.memory_space<vmem_shared>> -> memref<13520x64xf32, #tpu.memory_space<vmem_shared>>
      tpu.wait_indirect_dma semaphore(%arg8 : memref<!tpu.dma_semaphore, #tpu.memory_space<semaphore_mem>>) src(%dma_wait3A_107 : memref<13520x64xf32, #tpu.memory_space<vmem_shared>>) dst(%dma_wait3A_102 : memref<64x64xf32, #tpu.memory_space<vmem>>)
      "tpu.region"() ({
        %run_scoped3A = tpu.sem_alloc : memref<!tpu.dma_semaphore, #tpu.memory_space<semaphore_mem>>
        %dma_start3A_108 = arith.constant 0 : i32
        %dma_start3A_109 = tpu.memref_slice %arg4[%add3A_13, %dma_start3A_108] : memref<2523136x64xf32, #tpu.memory_space<hbm>> -> memref<704x64xf32, #tpu.memory_space<hbm>>
        %dma_start3A_110 = arith.constant 0 : i32
        %dma_start3A_111 = tpu.memref_slice %arg4[%add3A_13, %dma_start3A_110] : memref<2523136x64xf32, #tpu.memory_space<hbm>> -> memref<704x64xf32, #tpu.memory_space<hbm>>
        tpu.enqueue_dma source(%arg7 : memref<704x64xf32, #tpu.memory_space<vmem>>) target(%dma_start3A_111 : memref<704x64xf32, #tpu.memory_space<hbm>>) target_semaphore(%run_scoped3A : memref<!tpu.dma_semaphore, #tpu.memory_space<semaphore_mem>>)
        %dma_wait3A_112 = arith.constant 0 : i32
        %dma_wait3A_113 = tpu.memref_slice %arg4[%add3A_13, %dma_wait3A_112] : memref<2523136x64xf32, #tpu.memory_space<hbm>> -> memref<704x64xf32, #tpu.memory_space<hbm>>
        %dma_wait3A_114 = arith.constant 0 : i32
        %dma_wait3A_115 = tpu.memref_slice %arg4[%add3A_13, %dma_wait3A_114] : memref<2523136x64xf32, #tpu.memory_space<hbm>> -> memref<704x64xf32, #tpu.memory_space<hbm>>
        tpu.wait_dma2 semaphore(%run_scoped3A : memref<!tpu.dma_semaphore, #tpu.memory_space<semaphore_mem>>) src(%arg7 : memref<704x64xf32, #tpu.memory_space<vmem>>) dst(%dma_wait3A_115 : memref<704x64xf32, #tpu.memory_space<hbm>>)
        tpu.yield
      }) : () -> ()
    }
    %scan3A_9 = arith.constant 112 : i32
    return
  }
}

module attributes {stable_mosaic.version = 14 : i64} {
  func.func @_table_body(%arg0: memref<4x64xf32, #tpu.memory_space<vmem>>, %arg1: memref<6x64xf32, #tpu.memory_space<vmem>>, %arg2: memref<12x64xf32, #tpu.memory_space<vmem>>, %arg3: memref<19x64xf32, #tpu.memory_space<vmem>>, %arg4: memref<256x64xf32, #tpu.memory_space<vmem>>, %arg5: memref<1x64xf32, #tpu.memory_space<vmem>>, %arg6: memref<6x64xf32, #tpu.memory_space<vmem>>, %arg7: memref<9x64xf32, #tpu.memory_space<vmem>>, %arg8: memref<192x64xf32, #tpu.memory_space<vmem>>, %arg9: memref<1x64xf32, #tpu.memory_space<vmem>>, %arg10: memref<4x64xf32, #tpu.memory_space<vmem>>, %arg11: memref<2x64xf32, #tpu.memory_space<vmem>>, %arg12: memref<54x64xf32, #tpu.memory_space<vmem>>, %arg13: memref<256x64xf32, #tpu.memory_space<vmem>>, %arg14: memref<1x64xf32, #tpu.memory_space<vmem>>, %arg15: memref<256x64xf32, #tpu.memory_space<vmem>>, %arg16: memref<1x64xf32, #tpu.memory_space<vmem>>, %arg17: memref<13520x64xf32, #tpu.memory_space<vmem>>) attributes {dimension_semantics = [], scalar_prefetch = 0 : i64, scratch_operands = 0 : i64, tpu.core_type = #tpu.core_type<tc>} {
    %get3A = arith.constant 0 : index
    %get3A_0 = arith.constant 0 : index
    %get3A_1 = vector.load %arg0[%get3A, %get3A_0] : memref<4x64xf32, #tpu.memory_space<vmem>>, vector<4x64xf32>
    %iota3A = tpu.iota {dimensions = array<i32: 0>} : vector<1368x1xi32>
    %jit3A = arith.constant 228 : i32
    %div3A = vector.broadcast %jit3A : i32 to vector<1368x1xi32>
    %div3A_2 = arith.divsi %iota3A, %div3A : vector<1368x1xi32>
    %sign3A = arith.constant 0 : i32
    %sign3A_3 = vector.broadcast %sign3A : i32 to vector<1368x1xi32>
    %sign3A_4 = arith.cmpi sgt, %iota3A, %sign3A_3 : vector<1368x1xi32>
    %sign3A_5 = arith.extui %sign3A_4 : vector<1368x1xi1> to vector<1368x1xi32>
    %sign3A_6 = arith.constant 0 : i32
    %sign3A_7 = vector.broadcast %sign3A_6 : i32 to vector<1368x1xi32>
    %sign3A_8 = arith.cmpi slt, %iota3A, %sign3A_7 : vector<1368x1xi32>
    %sign3A_9 = arith.extui %sign3A_8 : vector<1368x1xi1> to vector<1368x1xi32>
    %sign3A_10 = arith.subi %sign3A_5, %sign3A_9 : vector<1368x1xi32>
    %sign3A_11 = arith.constant 0 : i32
    %sign3A_12 = arith.cmpi sgt, %jit3A, %sign3A_11 : i32
    %sign3A_13 = arith.extui %sign3A_12 : i1 to i32
    %sign3A_14 = arith.constant 0 : i32
    %sign3A_15 = arith.cmpi slt, %jit3A, %sign3A_14 : i32
    %sign3A_16 = arith.extui %sign3A_15 : i1 to i32
    %sign3A_17 = arith.subi %sign3A_13, %sign3A_16 : i32
    %ne3A = vector.broadcast %sign3A_17 : i32 to vector<1368x1xi32>
    %ne3A_18 = arith.cmpi ne, %sign3A_10, %ne3A : vector<1368x1xi32>
    %rem3A = vector.broadcast %jit3A : i32 to vector<1368x1xi32>
    %rem3A_19 = arith.remsi %iota3A, %rem3A : vector<1368x1xi32>
    %ne3A_20 = arith.constant 0 : i32
    %ne3A_21 = vector.broadcast %ne3A_20 : i32 to vector<1368x1xi32>
    %ne3A_22 = arith.cmpi ne, %rem3A_19, %ne3A_21 : vector<1368x1xi32>
    %and3A = arith.andi %ne3A_18, %ne3A_22 : vector<1368x1xi1>
    %sub3A = arith.constant 1 : i32
    %sub3A_23 = vector.broadcast %sub3A : i32 to vector<1368x1xi32>
    %sub3A_24 = arith.subi %div3A_2, %sub3A_23 : vector<1368x1xi32>
    %select_n3A = arith.select %and3A, %sub3A_24, %div3A_2 : vector<1368x1xi1>, vector<1368x1xi32>
    %get3A_25 = arith.constant 0 : index
    %get3A_26 = arith.constant 0 : index
    %get3A_27 = vector.load %arg1[%get3A_25, %get3A_26] : memref<6x64xf32, #tpu.memory_space<vmem>>, vector<6x64xf32>
    %get3A_28 = arith.constant 0 : index
    %get3A_29 = arith.constant 0 : index
    %get3A_30 = vector.load %arg4[%get3A_28, %get3A_29] : memref<256x64xf32, #tpu.memory_space<vmem>>, vector<64x64xf32>
    %dot_general3A = arith.constant dense<0.000000e+00> : vector<6x64xf32>
    %dot_general3A_31 = tpu.matmul %get3A_27, %get3A_30, %dot_general3A {dimension_numbers = #tpu.dot_dimension_numbers<[1], [0], [0], [1], [0, 0, 1, 1], [], []>, transpose_lhs_hint = false} : vector<6x64xf32>, vector<64x64xf32>, vector<6x64xf32> -> vector<6x64xf32>
    %iota3A_32 = tpu.iota {dimensions = array<i32: 1>} : vector<1368x6xi32>
    %eq3A = vector.broadcast %select_n3A : vector<1368x1xi32> to vector<1368x6xi32>
    %eq3A_33 = arith.cmpi eq, %iota3A_32, %eq3A : vector<1368x6xi32>
    %convert_element_type3A = arith.extui %eq3A_33 : vector<1368x6xi1> to vector<1368x6xi32>
    %convert_element_type3A_34 = arith.sitofp %convert_element_type3A : vector<1368x6xi32> to vector<1368x6xf32>
    %dot_general3A_35 = arith.constant dense<0.000000e+00> : vector<1368x64xf32>
    %dot_general3A_36 = tpu.matmul %convert_element_type3A_34, %dot_general3A_31, %dot_general3A_35 {dimension_numbers = #tpu.dot_dimension_numbers<[1], [0], [0], [1], [0, 0, 1, 1], [], []>, transpose_lhs_hint = false} : vector<1368x6xf32>, vector<6x64xf32>, vector<1368x64xf32> -> vector<1368x64xf32>
    %jit3A_37 = arith.constant 19 : i32
    %div3A_38 = vector.broadcast %jit3A_37 : i32 to vector<1368x1xi32>
    %div3A_39 = arith.divsi %iota3A, %div3A_38 : vector<1368x1xi32>
    %sign3A_40 = arith.constant 0 : i32
    %sign3A_41 = vector.broadcast %sign3A_40 : i32 to vector<1368x1xi32>
    %sign3A_42 = arith.cmpi sgt, %iota3A, %sign3A_41 : vector<1368x1xi32>
    %sign3A_43 = arith.extui %sign3A_42 : vector<1368x1xi1> to vector<1368x1xi32>
    %sign3A_44 = arith.constant 0 : i32
    %sign3A_45 = vector.broadcast %sign3A_44 : i32 to vector<1368x1xi32>
    %sign3A_46 = arith.cmpi slt, %iota3A, %sign3A_45 : vector<1368x1xi32>
    %sign3A_47 = arith.extui %sign3A_46 : vector<1368x1xi1> to vector<1368x1xi32>
    %sign3A_48 = arith.subi %sign3A_43, %sign3A_47 : vector<1368x1xi32>
    %sign3A_49 = arith.constant 0 : i32
    %sign3A_50 = arith.cmpi sgt, %jit3A_37, %sign3A_49 : i32
    %sign3A_51 = arith.extui %sign3A_50 : i1 to i32
    %sign3A_52 = arith.constant 0 : i32
    %sign3A_53 = arith.cmpi slt, %jit3A_37, %sign3A_52 : i32
    %sign3A_54 = arith.extui %sign3A_53 : i1 to i32
    %sign3A_55 = arith.subi %sign3A_51, %sign3A_54 : i32
    %ne3A_56 = vector.broadcast %sign3A_55 : i32 to vector<1368x1xi32>
    %ne3A_57 = arith.cmpi ne, %sign3A_48, %ne3A_56 : vector<1368x1xi32>
    %rem3A_58 = vector.broadcast %jit3A_37 : i32 to vector<1368x1xi32>
    %rem3A_59 = arith.remsi %iota3A, %rem3A_58 : vector<1368x1xi32>
    %ne3A_60 = arith.constant 0 : i32
    %ne3A_61 = vector.broadcast %ne3A_60 : i32 to vector<1368x1xi32>
    %ne3A_62 = arith.cmpi ne, %rem3A_59, %ne3A_61 : vector<1368x1xi32>
    %and3A_63 = arith.andi %ne3A_57, %ne3A_62 : vector<1368x1xi1>
    %sub3A_64 = arith.constant 1 : i32
    %sub3A_65 = vector.broadcast %sub3A_64 : i32 to vector<1368x1xi32>
    %sub3A_66 = arith.subi %div3A_39, %sub3A_65 : vector<1368x1xi32>
    %select_n3A_67 = arith.select %and3A_63, %sub3A_66, %div3A_39 : vector<1368x1xi1>, vector<1368x1xi32>
    %jit3A_68 = arith.constant 12 : i32
    %eq3A_69 = arith.constant 0 : i32
    %eq3A_70 = arith.cmpi eq, %jit3A_68, %eq3A_69 : i32
    %jit3A_71 = arith.constant 1 : i32
    %select_n3A_72 = arith.select %eq3A_70, %jit3A_71, %jit3A_68 : i32
    %rem3A_73 = vector.broadcast %select_n3A_72 : i32 to vector<1368x1xi32>
    %rem3A_74 = arith.remsi %select_n3A_67, %rem3A_73 : vector<1368x1xi32>
    %ne3A_75 = arith.constant 0 : i32
    %ne3A_76 = vector.broadcast %ne3A_75 : i32 to vector<1368x1xi32>
    %ne3A_77 = arith.cmpi ne, %rem3A_74, %ne3A_76 : vector<1368x1xi32>
    %lt3A = arith.constant 0 : i32
    %lt3A_78 = vector.broadcast %lt3A : i32 to vector<1368x1xi32>
    %lt3A_79 = arith.cmpi slt, %rem3A_74, %lt3A_78 : vector<1368x1xi32>
    %lt3A_80 = arith.constant 0 : i32
    %lt3A_81 = arith.cmpi slt, %select_n3A_72, %lt3A_80 : i32
    %ne3A_82 = vector.broadcast %lt3A_81 : i1 to vector<1368x1xi1>
    %ne3A_83 = vector.broadcast %ne3A_82 : vector<1368x1xi1> to vector<1368x1xi1>
    %ne3A_84 = arith.xori %lt3A_79, %ne3A_83 : vector<1368x1xi1>
    %and3A_85 = arith.andi %ne3A_84, %ne3A_77 : vector<1368x1xi1>
    %add3A = vector.broadcast %select_n3A_72 : i32 to vector<1368x1xi32>
    %add3A_86 = arith.addi %rem3A_74, %add3A : vector<1368x1xi32>
    %select_n3A_87 = arith.select %and3A_85, %add3A_86, %rem3A_74 : vector<1368x1xi1>, vector<1368x1xi32>
    %get3A_88 = arith.constant 0 : index
    %get3A_89 = arith.constant 0 : index
    %get3A_90 = vector.load %arg2[%get3A_88, %get3A_89] : memref<12x64xf32, #tpu.memory_space<vmem>>, vector<12x64xf32>
    %get3A_91 = arith.constant 64 : index
    %get3A_92 = arith.constant 0 : index
    %get3A_93 = vector.load %arg4[%get3A_91, %get3A_92] : memref<256x64xf32, #tpu.memory_space<vmem>>, vector<64x64xf32>
    %dot_general3A_94 = arith.constant dense<0.000000e+00> : vector<12x64xf32>
    %dot_general3A_95 = tpu.matmul %get3A_90, %get3A_93, %dot_general3A_94 {dimension_numbers = #tpu.dot_dimension_numbers<[1], [0], [0], [1], [0, 0, 1, 1], [], []>, transpose_lhs_hint = false} : vector<12x64xf32>, vector<64x64xf32>, vector<12x64xf32> -> vector<12x64xf32>
    %iota3A_96 = tpu.iota {dimensions = array<i32: 1>} : vector<1368x12xi32>
    %eq3A_97 = vector.broadcast %select_n3A_87 : vector<1368x1xi32> to vector<1368x12xi32>
    %eq3A_98 = arith.cmpi eq, %iota3A_96, %eq3A_97 : vector<1368x12xi32>
    %convert_element_type3A_99 = arith.extui %eq3A_98 : vector<1368x12xi1> to vector<1368x12xi32>
    %convert_element_type3A_100 = arith.sitofp %convert_element_type3A_99 : vector<1368x12xi32> to vector<1368x12xf32>
    %dot_general3A_101 = arith.constant dense<0.000000e+00> : vector<1368x64xf32>
    %dot_general3A_102 = tpu.matmul %convert_element_type3A_100, %dot_general3A_95, %dot_general3A_101 {dimension_numbers = #tpu.dot_dimension_numbers<[1], [0], [0], [1], [0, 0, 1, 1], [], []>, transpose_lhs_hint = false} : vector<1368x12xf32>, vector<12x64xf32>, vector<1368x64xf32> -> vector<1368x64xf32>
    %add3A_103 = arith.addf %dot_general3A_36, %dot_general3A_102 : vector<1368x64xf32>
    %jit3A_104 = arith.constant 19 : i32
    %eq3A_105 = arith.constant 0 : i32
    %eq3A_106 = arith.cmpi eq, %jit3A_104, %eq3A_105 : i32
    %jit3A_107 = arith.constant 1 : i32
    %select_n3A_108 = arith.select %eq3A_106, %jit3A_107, %jit3A_104 : i32
    %rem3A_109 = vector.broadcast %select_n3A_108 : i32 to vector<1368x1xi32>
    %rem3A_110 = arith.remsi %iota3A, %rem3A_109 : vector<1368x1xi32>
    %ne3A_111 = arith.constant 0 : i32
    %ne3A_112 = vector.broadcast %ne3A_111 : i32 to vector<1368x1xi32>
    %ne3A_113 = arith.cmpi ne, %rem3A_110, %ne3A_112 : vector<1368x1xi32>
    %lt3A_114 = arith.constant 0 : i32
    %lt3A_115 = vector.broadcast %lt3A_114 : i32 to vector<1368x1xi32>
    %lt3A_116 = arith.cmpi slt, %rem3A_110, %lt3A_115 : vector<1368x1xi32>
    %lt3A_117 = arith.constant 0 : i32
    %lt3A_118 = arith.cmpi slt, %select_n3A_108, %lt3A_117 : i32
    %ne3A_119 = vector.broadcast %lt3A_118 : i1 to vector<1368x1xi1>
    %ne3A_120 = vector.broadcast %ne3A_119 : vector<1368x1xi1> to vector<1368x1xi1>
    %ne3A_121 = arith.xori %lt3A_116, %ne3A_120 : vector<1368x1xi1>
    %and3A_122 = arith.andi %ne3A_121, %ne3A_113 : vector<1368x1xi1>
    %add3A_123 = vector.broadcast %select_n3A_108 : i32 to vector<1368x1xi32>
    %add3A_124 = arith.addi %rem3A_110, %add3A_123 : vector<1368x1xi32>
    %select_n3A_125 = arith.select %and3A_122, %add3A_124, %rem3A_110 : vector<1368x1xi1>, vector<1368x1xi32>
    %get3A_126 = arith.constant 0 : index
    %get3A_127 = arith.constant 0 : index
    %get3A_128 = vector.load %arg3[%get3A_126, %get3A_127] : memref<19x64xf32, #tpu.memory_space<vmem>>, vector<19x64xf32>
    %get3A_129 = arith.constant 128 : index
    %get3A_130 = arith.constant 0 : index
    %get3A_131 = vector.load %arg4[%get3A_129, %get3A_130] : memref<256x64xf32, #tpu.memory_space<vmem>>, vector<64x64xf32>
    %dot_general3A_132 = arith.constant dense<0.000000e+00> : vector<19x64xf32>
    %dot_general3A_133 = tpu.matmul %get3A_128, %get3A_131, %dot_general3A_132 {dimension_numbers = #tpu.dot_dimension_numbers<[1], [0], [0], [1], [0, 0, 1, 1], [], []>, transpose_lhs_hint = false} : vector<19x64xf32>, vector<64x64xf32>, vector<19x64xf32> -> vector<19x64xf32>
    %iota3A_134 = tpu.iota {dimensions = array<i32: 1>} : vector<1368x19xi32>
    %eq3A_135 = vector.broadcast %select_n3A_125 : vector<1368x1xi32> to vector<1368x19xi32>
    %eq3A_136 = arith.cmpi eq, %iota3A_134, %eq3A_135 : vector<1368x19xi32>
    %convert_element_type3A_137 = arith.extui %eq3A_136 : vector<1368x19xi1> to vector<1368x19xi32>
    %convert_element_type3A_138 = arith.sitofp %convert_element_type3A_137 : vector<1368x19xi32> to vector<1368x19xf32>
    %dot_general3A_139 = arith.constant dense<0.000000e+00> : vector<1368x64xf32>
    %dot_general3A_140 = tpu.matmul %convert_element_type3A_138, %dot_general3A_133, %dot_general3A_139 {dimension_numbers = #tpu.dot_dimension_numbers<[1], [0], [0], [1], [0, 0, 1, 1], [], []>, transpose_lhs_hint = false} : vector<1368x19xf32>, vector<19x64xf32>, vector<1368x64xf32> -> vector<1368x64xf32>
    %add3A_141 = arith.addf %add3A_103, %dot_general3A_140 : vector<1368x64xf32>
    %slice3A = vector.extract_strided_slice %get3A_1 {offsets = [0, 0], sizes = [1, 64], strides = [1, 1]} : vector<4x64xf32> to vector<1x64xf32>
    %get3A_142 = arith.constant 192 : index
    %get3A_143 = arith.constant 0 : index
    %get3A_144 = vector.load %arg4[%get3A_142, %get3A_143] : memref<256x64xf32, #tpu.memory_space<vmem>>, vector<64x64xf32>
    %dot_general3A_145 = arith.constant dense<0.000000e+00> : vector<1x64xf32>
    %dot_general3A_146 = tpu.matmul %slice3A, %get3A_144, %dot_general3A_145 {dimension_numbers = #tpu.dot_dimension_numbers<[1], [0], [0], [1], [0, 0, 1, 1], [], []>, transpose_lhs_hint = false} : vector<1x64xf32>, vector<64x64xf32>, vector<1x64xf32> -> vector<1x64xf32>
    %get3A_147 = arith.constant 0 : index
    %get3A_148 = arith.constant 0 : index
    %get3A_149 = vector.load %arg5[%get3A_147, %get3A_148] : memref<1x64xf32, #tpu.memory_space<vmem>>, vector<1x64xf32>
    %add3A_150 = arith.addf %dot_general3A_146, %get3A_149 : vector<1x64xf32>
    %add3A_151 = vector.broadcast %add3A_150 : vector<1x64xf32> to vector<1368x64xf32>
    %add3A_152 = arith.addf %add3A_141, %add3A_151 : vector<1368x64xf32>
    %swap3A = arith.constant 0 : index
    %swap3A_153 = arith.constant 0 : index
    %swap3A_154 = vector.load %arg17[%swap3A, %swap3A_153] : memref<13520x64xf32, #tpu.memory_space<vmem>>, vector<1368x64xf32>
    tpu.vector_store %arg17[%swap3A, %swap3A_153], %add3A_152 {strides = array<i32>} : memref<13520x64xf32, #tpu.memory_space<vmem>>, vector<1368x64xf32>,
    %iota3A_155 = tpu.iota {dimensions = array<i32: 0>} : vector<56x1xi32>
    %jit3A_156 = arith.constant 9 : i32
    %div3A_157 = vector.broadcast %jit3A_156 : i32 to vector<56x1xi32>
    %div3A_158 = arith.divsi %iota3A_155, %div3A_157 : vector<56x1xi32>
    %sign3A_159 = arith.constant 0 : i32
    %sign3A_160 = vector.broadcast %sign3A_159 : i32 to vector<56x1xi32>
    %sign3A_161 = arith.cmpi sgt, %iota3A_155, %sign3A_160 : vector<56x1xi32>
    %sign3A_162 = arith.extui %sign3A_161 : vector<56x1xi1> to vector<56x1xi32>
    %sign3A_163 = arith.constant 0 : i32
    %sign3A_164 = vector.broadcast %sign3A_163 : i32 to vector<56x1xi32>
    %sign3A_165 = arith.cmpi slt, %iota3A_155, %sign3A_164 : vector<56x1xi32>
    %sign3A_166 = arith.extui %sign3A_165 : vector<56x1xi1> to vector<56x1xi32>
    %sign3A_167 = arith.subi %sign3A_162, %sign3A_166 : vector<56x1xi32>
    %sign3A_168 = arith.constant 0 : i32
    %sign3A_169 = arith.cmpi sgt, %jit3A_156, %sign3A_168 : i32
    %sign3A_170 = arith.extui %sign3A_169 : i1 to i32
    %sign3A_171 = arith.constant 0 : i32
    %sign3A_172 = arith.cmpi slt, %jit3A_156, %sign3A_171 : i32
    %sign3A_173 = arith.extui %sign3A_172 : i1 to i32
    %sign3A_174 = arith.subi %sign3A_170, %sign3A_173 : i32
    %ne3A_175 = vector.broadcast %sign3A_174 : i32 to vector<56x1xi32>
    %ne3A_176 = arith.cmpi ne, %sign3A_167, %ne3A_175 : vector<56x1xi32>
    %rem3A_177 = vector.broadcast %jit3A_156 : i32 to vector<56x1xi32>
    %rem3A_178 = arith.remsi %iota3A_155, %rem3A_177 : vector<56x1xi32>
    %ne3A_179 = arith.constant 0 : i32
    %ne3A_180 = vector.broadcast %ne3A_179 : i32 to vector<56x1xi32>
    %ne3A_181 = arith.cmpi ne, %rem3A_178, %ne3A_180 : vector<56x1xi32>
    %and3A_182 = arith.andi %ne3A_176, %ne3A_181 : vector<56x1xi1>
    %sub3A_183 = arith.constant 1 : i32
    %sub3A_184 = vector.broadcast %sub3A_183 : i32 to vector<56x1xi32>
    %sub3A_185 = arith.subi %div3A_158, %sub3A_184 : vector<56x1xi32>
    %select_n3A_186 = arith.select %and3A_182, %sub3A_185, %div3A_158 : vector<56x1xi1>, vector<56x1xi32>
    %get3A_187 = arith.constant 0 : index
    %get3A_188 = arith.constant 0 : index
    %get3A_189 = vector.load %arg6[%get3A_187, %get3A_188] : memref<6x64xf32, #tpu.memory_space<vmem>>, vector<6x64xf32>
    %get3A_190 = arith.constant 0 : index
    %get3A_191 = arith.constant 0 : index
    %get3A_192 = vector.load %arg8[%get3A_190, %get3A_191] : memref<192x64xf32, #tpu.memory_space<vmem>>, vector<64x64xf32>
    %dot_general3A_193 = arith.constant dense<0.000000e+00> : vector<6x64xf32>
    %dot_general3A_194 = tpu.matmul %get3A_189, %get3A_192, %dot_general3A_193 {dimension_numbers = #tpu.dot_dimension_numbers<[1], [0], [0], [1], [0, 0, 1, 1], [], []>, transpose_lhs_hint = false} : vector<6x64xf32>, vector<64x64xf32>, vector<6x64xf32> -> vector<6x64xf32>
    %iota3A_195 = tpu.iota {dimensions = array<i32: 1>} : vector<56x6xi32>
    %eq3A_196 = vector.broadcast %select_n3A_186 : vector<56x1xi32> to vector<56x6xi32>
    %eq3A_197 = arith.cmpi eq, %iota3A_195, %eq3A_196 : vector<56x6xi32>
    %convert_element_type3A_198 = arith.extui %eq3A_197 : vector<56x6xi1> to vector<56x6xi32>
    %convert_element_type3A_199 = arith.sitofp %convert_element_type3A_198 : vector<56x6xi32> to vector<56x6xf32>
    %dot_general3A_200 = arith.constant dense<0.000000e+00> : vector<56x64xf32>
    %dot_general3A_201 = tpu.matmul %convert_element_type3A_199, %dot_general3A_194, %dot_general3A_200 {dimension_numbers = #tpu.dot_dimension_numbers<[1], [0], [0], [1], [0, 0, 1, 1], [], []>, transpose_lhs_hint = false} : vector<56x6xf32>, vector<6x64xf32>, vector<56x64xf32> -> vector<56x64xf32>
    %jit3A_202 = arith.constant 9 : i32
    %eq3A_203 = arith.constant 0 : i32
    %eq3A_204 = arith.cmpi eq, %jit3A_202, %eq3A_203 : i32
    %jit3A_205 = arith.constant 1 : i32
    %select_n3A_206 = arith.select %eq3A_204, %jit3A_205, %jit3A_202 : i32
    %rem3A_207 = vector.broadcast %select_n3A_206 : i32 to vector<56x1xi32>
    %rem3A_208 = arith.remsi %iota3A_155, %rem3A_207 : vector<56x1xi32>
    %ne3A_209 = arith.constant 0 : i32
    %ne3A_210 = vector.broadcast %ne3A_209 : i32 to vector<56x1xi32>
    %ne3A_211 = arith.cmpi ne, %rem3A_208, %ne3A_210 : vector<56x1xi32>
    %lt3A_212 = arith.constant 0 : i32
    %lt3A_213 = vector.broadcast %lt3A_212 : i32 to vector<56x1xi32>
    %lt3A_214 = arith.cmpi slt, %rem3A_208, %lt3A_213 : vector<56x1xi32>
    %lt3A_215 = arith.constant 0 : i32
    %lt3A_216 = arith.cmpi slt, %select_n3A_206, %lt3A_215 : i32
    %ne3A_217 = vector.broadcast %lt3A_216 : i1 to vector<56x1xi1>
    %ne3A_218 = vector.broadcast %ne3A_217 : vector<56x1xi1> to vector<56x1xi1>
    %ne3A_219 = arith.xori %lt3A_214, %ne3A_218 : vector<56x1xi1>
    %and3A_220 = arith.andi %ne3A_219, %ne3A_211 : vector<56x1xi1>
    %add3A_221 = vector.broadcast %select_n3A_206 : i32 to vector<56x1xi32>
    %add3A_222 = arith.addi %rem3A_208, %add3A_221 : vector<56x1xi32>
    %select_n3A_223 = arith.select %and3A_220, %add3A_222, %rem3A_208 : vector<56x1xi1>, vector<56x1xi32>
    %get3A_224 = arith.constant 0 : index
    %get3A_225 = arith.constant 0 : index
    %get3A_226 = vector.load %arg7[%get3A_224, %get3A_225] : memref<9x64xf32, #tpu.memory_space<vmem>>, vector<9x64xf32>
    %get3A_227 = arith.constant 64 : index
    %get3A_228 = arith.constant 0 : index
    %get3A_229 = vector.load %arg8[%get3A_227, %get3A_228] : memref<192x64xf32, #tpu.memory_space<vmem>>, vector<64x64xf32>
    %dot_general3A_230 = arith.constant dense<0.000000e+00> : vector<9x64xf32>
    %dot_general3A_231 = tpu.matmul %get3A_226, %get3A_229, %dot_general3A_230 {dimension_numbers = #tpu.dot_dimension_numbers<[1], [0], [0], [1], [0, 0, 1, 1], [], []>, transpose_lhs_hint = false} : vector<9x64xf32>, vector<64x64xf32>, vector<9x64xf32> -> vector<9x64xf32>
    %iota3A_232 = tpu.iota {dimensions = array<i32: 1>} : vector<56x9xi32>
    %eq3A_233 = vector.broadcast %select_n3A_223 : vector<56x1xi32> to vector<56x9xi32>
    %eq3A_234 = arith.cmpi eq, %iota3A_232, %eq3A_233 : vector<56x9xi32>
    %convert_element_type3A_235 = arith.extui %eq3A_234 : vector<56x9xi1> to vector<56x9xi32>
    %convert_element_type3A_236 = arith.sitofp %convert_element_type3A_235 : vector<56x9xi32> to vector<56x9xf32>
    %dot_general3A_237 = arith.constant dense<0.000000e+00> : vector<56x64xf32>
    %dot_general3A_238 = tpu.matmul %convert_element_type3A_236, %dot_general3A_231, %dot_general3A_237 {dimension_numbers = #tpu.dot_dimension_numbers<[1], [0], [0], [1], [0, 0, 1, 1], [], []>, transpose_lhs_hint = false} : vector<56x9xf32>, vector<9x64xf32>, vector<56x64xf32> -> vector<56x64xf32>
    %add3A_239 = arith.addf %dot_general3A_201, %dot_general3A_238 : vector<56x64xf32>
    %slice3A_240 = vector.extract_strided_slice %get3A_1 {offsets = [1, 0], sizes = [1, 64], strides = [1, 1]} : vector<4x64xf32> to vector<1x64xf32>
    %get3A_241 = arith.constant 128 : index
    %get3A_242 = arith.constant 0 : index
    %get3A_243 = vector.load %arg8[%get3A_241, %get3A_242] : memref<192x64xf32, #tpu.memory_space<vmem>>, vector<64x64xf32>
    %dot_general3A_244 = arith.constant dense<0.000000e+00> : vector<1x64xf32>
    %dot_general3A_245 = tpu.matmul %slice3A_240, %get3A_243, %dot_general3A_244 {dimension_numbers = #tpu.dot_dimension_numbers<[1], [0], [0], [1], [0, 0, 1, 1], [], []>, transpose_lhs_hint = false} : vector<1x64xf32>, vector<64x64xf32>, vector<1x64xf32> -> vector<1x64xf32>
    %get3A_246 = arith.constant 0 : index
    %get3A_247 = arith.constant 0 : index
    %get3A_248 = vector.load %arg9[%get3A_246, %get3A_247] : memref<1x64xf32, #tpu.memory_space<vmem>>, vector<1x64xf32>
    %add3A_249 = arith.addf %dot_general3A_245, %get3A_248 : vector<1x64xf32>
    %add3A_250 = vector.broadcast %add3A_249 : vector<1x64xf32> to vector<56x64xf32>
    %add3A_251 = arith.addf %add3A_239, %add3A_250 : vector<56x64xf32>
    %swap3A_252 = arith.constant 1368 : index
    %swap3A_253 = arith.constant 0 : index
    %swap3A_254 = vector.load %arg17[%swap3A_252, %swap3A_253] : memref<13520x64xf32, #tpu.memory_space<vmem>>, vector<56x64xf32>
    tpu.vector_store %arg17[%swap3A_252, %swap3A_253], %add3A_251 {strides = array<i32>} : memref<13520x64xf32, #tpu.memory_space<vmem>>, vector<56x64xf32>,
    %iota3A_255 = tpu.iota {dimensions = array<i32: 0>} : vector<432x1xi32>
    %jit3A_256 = arith.constant 108 : i32
    %div3A_257 = vector.broadcast %jit3A_256 : i32 to vector<432x1xi32>
    %div3A_258 = arith.divsi %iota3A_255, %div3A_257 : vector<432x1xi32>
    %sign3A_259 = arith.constant 0 : i32
    %sign3A_260 = vector.broadcast %sign3A_259 : i32 to vector<432x1xi32>
    %sign3A_261 = arith.cmpi sgt, %iota3A_255, %sign3A_260 : vector<432x1xi32>
    %sign3A_262 = arith.extui %sign3A_261 : vector<432x1xi1> to vector<432x1xi32>
    %sign3A_263 = arith.constant 0 : i32
    %sign3A_264 = vector.broadcast %sign3A_263 : i32 to vector<432x1xi32>
    %sign3A_265 = arith.cmpi slt, %iota3A_255, %sign3A_264 : vector<432x1xi32>
    %sign3A_266 = arith.extui %sign3A_265 : vector<432x1xi1> to vector<432x1xi32>
    %sign3A_267 = arith.subi %sign3A_262, %sign3A_266 : vector<432x1xi32>
    %sign3A_268 = arith.constant 0 : i32
    %sign3A_269 = arith.cmpi sgt, %jit3A_256, %sign3A_268 : i32
    %sign3A_270 = arith.extui %sign3A_269 : i1 to i32
    %sign3A_271 = arith.constant 0 : i32
    %sign3A_272 = arith.cmpi slt, %jit3A_256, %sign3A_271 : i32
    %sign3A_273 = arith.extui %sign3A_272 : i1 to i32
    %sign3A_274 = arith.subi %sign3A_270, %sign3A_273 : i32
    %ne3A_275 = vector.broadcast %sign3A_274 : i32 to vector<432x1xi32>
    %ne3A_276 = arith.cmpi ne, %sign3A_267, %ne3A_275 : vector<432x1xi32>
    %rem3A_277 = vector.broadcast %jit3A_256 : i32 to vector<432x1xi32>
    %rem3A_278 = arith.remsi %iota3A_255, %rem3A_277 : vector<432x1xi32>
    %ne3A_279 = arith.constant 0 : i32
    %ne3A_280 = vector.broadcast %ne3A_279 : i32 to vector<432x1xi32>
    %ne3A_281 = arith.cmpi ne, %rem3A_278, %ne3A_280 : vector<432x1xi32>
    %and3A_282 = arith.andi %ne3A_276, %ne3A_281 : vector<432x1xi1>
    %sub3A_283 = arith.constant 1 : i32
    %sub3A_284 = vector.broadcast %sub3A_283 : i32 to vector<432x1xi32>
    %sub3A_285 = arith.subi %div3A_258, %sub3A_284 : vector<432x1xi32>
    %select_n3A_286 = arith.select %and3A_282, %sub3A_285, %div3A_258 : vector<432x1xi1>, vector<432x1xi32>
    %get3A_287 = arith.constant 0 : index
    %get3A_288 = arith.constant 0 : index
    %get3A_289 = vector.load %arg10[%get3A_287, %get3A_288] : memref<4x64xf32, #tpu.memory_space<vmem>>, vector<4x64xf32>
    %get3A_290 = arith.constant 0 : index
    %get3A_291 = arith.constant 0 : index
    %get3A_292 = vector.load %arg13[%get3A_290, %get3A_291] : memref<256x64xf32, #tpu.memory_space<vmem>>, vector<64x64xf32>
    %dot_general3A_293 = arith.constant dense<0.000000e+00> : vector<4x64xf32>
    %dot_general3A_294 = tpu.matmul %get3A_289, %get3A_292, %dot_general3A_293 {dimension_numbers = #tpu.dot_dimension_numbers<[1], [0], [0], [1], [0, 0, 1, 1], [], []>, transpose_lhs_hint = false} : vector<4x64xf32>, vector<64x64xf32>, vector<4x64xf32> -> vector<4x64xf32>
    %iota3A_295 = tpu.iota {dimensions = array<i32: 1>} : vector<432x4xi32>
    %eq3A_296 = vector.broadcast %select_n3A_286 : vector<432x1xi32> to vector<432x4xi32>
    %eq3A_297 = arith.cmpi eq, %iota3A_295, %eq3A_296 : vector<432x4xi32>
    %convert_element_type3A_298 = arith.extui %eq3A_297 : vector<432x4xi1> to vector<432x4xi32>
    %convert_element_type3A_299 = arith.sitofp %convert_element_type3A_298 : vector<432x4xi32> to vector<432x4xf32>
    %dot_general3A_300 = arith.constant dense<0.000000e+00> : vector<432x64xf32>
    %dot_general3A_301 = tpu.matmul %convert_element_type3A_299, %dot_general3A_294, %dot_general3A_300 {dimension_numbers = #tpu.dot_dimension_numbers<[1], [0], [0], [1], [0, 0, 1, 1], [], []>, transpose_lhs_hint = false} : vector<432x4xf32>, vector<4x64xf32>, vector<432x64xf32> -> vector<432x64xf32>
    %jit3A_302 = arith.constant 54 : i32
    %div3A_303 = vector.broadcast %jit3A_302 : i32 to vector<432x1xi32>
    %div3A_304 = arith.divsi %iota3A_255, %div3A_303 : vector<432x1xi32>
    %sign3A_305 = arith.constant 0 : i32
    %sign3A_306 = vector.broadcast %sign3A_305 : i32 to vector<432x1xi32>
    %sign3A_307 = arith.cmpi sgt, %iota3A_255, %sign3A_306 : vector<432x1xi32>
    %sign3A_308 = arith.extui %sign3A_307 : vector<432x1xi1> to vector<432x1xi32>
    %sign3A_309 = arith.constant 0 : i32
    %sign3A_310 = vector.broadcast %sign3A_309 : i32 to vector<432x1xi32>
    %sign3A_311 = arith.cmpi slt, %iota3A_255, %sign3A_310 : vector<432x1xi32>
    %sign3A_312 = arith.extui %sign3A_311 : vector<432x1xi1> to vector<432x1xi32>
    %sign3A_313 = arith.subi %sign3A_308, %sign3A_312 : vector<432x1xi32>
    %sign3A_314 = arith.constant 0 : i32
    %sign3A_315 = arith.cmpi sgt, %jit3A_302, %sign3A_314 : i32
    %sign3A_316 = arith.extui %sign3A_315 : i1 to i32
    %sign3A_317 = arith.constant 0 : i32
    %sign3A_318 = arith.cmpi slt, %jit3A_302, %sign3A_317 : i32
    %sign3A_319 = arith.extui %sign3A_318 : i1 to i32
    %sign3A_320 = arith.subi %sign3A_316, %sign3A_319 : i32
    %ne3A_321 = vector.broadcast %sign3A_320 : i32 to vector<432x1xi32>
    %ne3A_322 = arith.cmpi ne, %sign3A_313, %ne3A_321 : vector<432x1xi32>
    %rem3A_323 = vector.broadcast %jit3A_302 : i32 to vector<432x1xi32>
    %rem3A_324 = arith.remsi %iota3A_255, %rem3A_323 : vector<432x1xi32>
    %ne3A_325 = arith.constant 0 : i32
    %ne3A_326 = vector.broadcast %ne3A_325 : i32 to vector<432x1xi32>
    %ne3A_327 = arith.cmpi ne, %rem3A_324, %ne3A_326 : vector<432x1xi32>
    %and3A_328 = arith.andi %ne3A_322, %ne3A_327 : vector<432x1xi1>
    %sub3A_329 = arith.constant 1 : i32
    %sub3A_330 = vector.broadcast %sub3A_329 : i32 to vector<432x1xi32>
    %sub3A_331 = arith.subi %div3A_304, %sub3A_330 : vector<432x1xi32>
    %select_n3A_332 = arith.select %and3A_328, %sub3A_331, %div3A_304 : vector<432x1xi1>, vector<432x1xi32>
    %jit3A_333 = arith.constant 2 : i32
    %eq3A_334 = arith.constant 0 : i32
    %eq3A_335 = arith.cmpi eq, %jit3A_333, %eq3A_334 : i32
    %jit3A_336 = arith.constant 1 : i32
    %select_n3A_337 = arith.select %eq3A_335, %jit3A_336, %jit3A_333 : i32
    %rem3A_338 = vector.broadcast %select_n3A_337 : i32 to vector<432x1xi32>
    %rem3A_339 = arith.remsi %select_n3A_332, %rem3A_338 : vector<432x1xi32>
    %ne3A_340 = arith.constant 0 : i32
    %ne3A_341 = vector.broadcast %ne3A_340 : i32 to vector<432x1xi32>
    %ne3A_342 = arith.cmpi ne, %rem3A_339, %ne3A_341 : vector<432x1xi32>
    %lt3A_343 = arith.constant 0 : i32
    %lt3A_344 = vector.broadcast %lt3A_343 : i32 to vector<432x1xi32>
    %lt3A_345 = arith.cmpi slt, %rem3A_339, %lt3A_344 : vector<432x1xi32>
    %lt3A_346 = arith.constant 0 : i32
    %lt3A_347 = arith.cmpi slt, %select_n3A_337, %lt3A_346 : i32
    %ne3A_348 = vector.broadcast %lt3A_347 : i1 to vector<432x1xi1>
    %ne3A_349 = vector.broadcast %ne3A_348 : vector<432x1xi1> to vector<432x1xi1>
    %ne3A_350 = arith.xori %lt3A_345, %ne3A_349 : vector<432x1xi1>
    %and3A_351 = arith.andi %ne3A_350, %ne3A_342 : vector<432x1xi1>
    %add3A_352 = vector.broadcast %select_n3A_337 : i32 to vector<432x1xi32>
    %add3A_353 = arith.addi %rem3A_339, %add3A_352 : vector<432x1xi32>
    %select_n3A_354 = arith.select %and3A_351, %add3A_353, %rem3A_339 : vector<432x1xi1>, vector<432x1xi32>
    %get3A_355 = arith.constant 0 : index
    %get3A_356 = arith.constant 0 : index
    %get3A_357 = vector.load %arg11[%get3A_355, %get3A_356] : memref<2x64xf32, #tpu.memory_space<vmem>>, vector<2x64xf32>
    %get3A_358 = arith.constant 64 : index
    %get3A_359 = arith.constant 0 : index
    %get3A_360 = vector.load %arg13[%get3A_358, %get3A_359] : memref<256x64xf32, #tpu.memory_space<vmem>>, vector<64x64xf32>
    %dot_general3A_361 = arith.constant dense<0.000000e+00> : vector<2x64xf32>
    %dot_general3A_362 = tpu.matmul %get3A_357, %get3A_360, %dot_general3A_361 {dimension_numbers = #tpu.dot_dimension_numbers<[1], [0], [0], [1], [0, 0, 1, 1], [], []>, transpose_lhs_hint = false} : vector<2x64xf32>, vector<64x64xf32>, vector<2x64xf32> -> vector<2x64xf32>
    %iota3A_363 = tpu.iota {dimensions = array<i32: 1>} : vector<432x2xi32>
    %eq3A_364 = vector.broadcast %select_n3A_354 : vector<432x1xi32> to vector<432x2xi32>
    %eq3A_365 = arith.cmpi eq, %iota3A_363, %eq3A_364 : vector<432x2xi32>
    %convert_element_type3A_366 = arith.extui %eq3A_365 : vector<432x2xi1> to vector<432x2xi32>
    %convert_element_type3A_367 = arith.sitofp %convert_element_type3A_366 : vector<432x2xi32> to vector<432x2xf32>
    %dot_general3A_368 = arith.constant dense<0.000000e+00> : vector<432x64xf32>
    %dot_general3A_369 = tpu.matmul %convert_element_type3A_367, %dot_general3A_362, %dot_general3A_368 {dimension_numbers = #tpu.dot_dimension_numbers<[1], [0], [0], [1], [0, 0, 1, 1], [], []>, transpose_lhs_hint = false} : vector<432x2xf32>, vector<2x64xf32>, vector<432x64xf32> -> vector<432x64xf32>
    %add3A_370 = arith.addf %dot_general3A_301, %dot_general3A_369 : vector<432x64xf32>
    %jit3A_371 = arith.constant 54 : i32
    %eq3A_372 = arith.constant 0 : i32
    %eq3A_373 = arith.cmpi eq, %jit3A_371, %eq3A_372 : i32
    %jit3A_374 = arith.constant 1 : i32
    %select_n3A_375 = arith.select %eq3A_373, %jit3A_374, %jit3A_371 : i32
    %rem3A_376 = vector.broadcast %select_n3A_375 : i32 to vector<432x1xi32>
    %rem3A_377 = arith.remsi %iota3A_255, %rem3A_376 : vector<432x1xi32>
    %ne3A_378 = arith.constant 0 : i32
    %ne3A_379 = vector.broadcast %ne3A_378 : i32 to vector<432x1xi32>
    %ne3A_380 = arith.cmpi ne, %rem3A_377, %ne3A_379 : vector<432x1xi32>
    %lt3A_381 = arith.constant 0 : i32
    %lt3A_382 = vector.broadcast %lt3A_381 : i32 to vector<432x1xi32>
    %lt3A_383 = arith.cmpi slt, %rem3A_377, %lt3A_382 : vector<432x1xi32>
    %lt3A_384 = arith.constant 0 : i32
    %lt3A_385 = arith.cmpi slt, %select_n3A_375, %lt3A_384 : i32
    %ne3A_386 = vector.broadcast %lt3A_385 : i1 to vector<432x1xi1>
    %ne3A_387 = vector.broadcast %ne3A_386 : vector<432x1xi1> to vector<432x1xi1>
    %ne3A_388 = arith.xori %lt3A_383, %ne3A_387 : vector<432x1xi1>
    %and3A_389 = arith.andi %ne3A_388, %ne3A_380 : vector<432x1xi1>
    %add3A_390 = vector.broadcast %select_n3A_375 : i32 to vector<432x1xi32>
    %add3A_391 = arith.addi %rem3A_377, %add3A_390 : vector<432x1xi32>
    %select_n3A_392 = arith.select %and3A_389, %add3A_391, %rem3A_377 : vector<432x1xi1>, vector<432x1xi32>
    %get3A_393 = arith.constant 0 : index
    %get3A_394 = arith.constant 0 : index
    %get3A_395 = vector.load %arg12[%get3A_393, %get3A_394] : memref<54x64xf32, #tpu.memory_space<vmem>>, vector<54x64xf32>
    %get3A_396 = arith.constant 128 : index
    %get3A_397 = arith.constant 0 : index
    %get3A_398 = vector.load %arg13[%get3A_396, %get3A_397] : memref<256x64xf32, #tpu.memory_space<vmem>>, vector<64x64xf32>
    %dot_general3A_399 = arith.constant dense<0.000000e+00> : vector<54x64xf32>
    %dot_general3A_400 = tpu.matmul %get3A_395, %get3A_398, %dot_general3A_399 {dimension_numbers = #tpu.dot_dimension_numbers<[1], [0], [0], [1], [0, 0, 1, 1], [], []>, transpose_lhs_hint = false} : vector<54x64xf32>, vector<64x64xf32>, vector<54x64xf32> -> vector<54x64xf32>
    %iota3A_401 = tpu.iota {dimensions = array<i32: 1>} : vector<432x54xi32>
    %eq3A_402 = vector.broadcast %select_n3A_392 : vector<432x1xi32> to vector<432x54xi32>
    %eq3A_403 = arith.cmpi eq, %iota3A_401, %eq3A_402 : vector<432x54xi32>
    %convert_element_type3A_404 = arith.extui %eq3A_403 : vector<432x54xi1> to vector<432x54xi32>
    %convert_element_type3A_405 = arith.sitofp %convert_element_type3A_404 : vector<432x54xi32> to vector<432x54xf32>
    %dot_general3A_406 = arith.constant dense<0.000000e+00> : vector<432x64xf32>
    %dot_general3A_407 = tpu.matmul %convert_element_type3A_405, %dot_general3A_400, %dot_general3A_406 {dimension_numbers = #tpu.dot_dimension_numbers<[1], [0], [0], [1], [0, 0, 1, 1], [], []>, transpose_lhs_hint = false} : vector<432x54xf32>, vector<54x64xf32>, vector<432x64xf32> -> vector<432x64xf32>
    %add3A_408 = arith.addf %add3A_370, %dot_general3A_407 : vector<432x64xf32>
    %slice3A_409 = vector.extract_strided_slice %get3A_1 {offsets = [2, 0], sizes = [1, 64], strides = [1, 1]} : vector<4x64xf32> to vector<1x64xf32>
    %get3A_410 = arith.constant 192 : index
    %get3A_411 = arith.constant 0 : index
    %get3A_412 = vector.load %arg13[%get3A_410, %get3A_411] : memref<256x64xf32, #tpu.memory_space<vmem>>, vector<64x64xf32>
    %dot_general3A_413 = arith.constant dense<0.000000e+00> : vector<1x64xf32>
    %dot_general3A_414 = tpu.matmul %slice3A_409, %get3A_412, %dot_general3A_413 {dimension_numbers = #tpu.dot_dimension_numbers<[1], [0], [0], [1], [0, 0, 1, 1], [], []>, transpose_lhs_hint = false} : vector<1x64xf32>, vector<64x64xf32>, vector<1x64xf32> -> vector<1x64xf32>
    %get3A_415 = arith.constant 0 : index
    %get3A_416 = arith.constant 0 : index
    %get3A_417 = vector.load %arg14[%get3A_415, %get3A_416] : memref<1x64xf32, #tpu.memory_space<vmem>>, vector<1x64xf32>
    %add3A_418 = arith.addf %dot_general3A_414, %get3A_417 : vector<1x64xf32>
    %add3A_419 = vector.broadcast %add3A_418 : vector<1x64xf32> to vector<432x64xf32>
    %add3A_420 = arith.addf %add3A_408, %add3A_419 : vector<432x64xf32>
    %swap3A_421 = arith.constant 1424 : index
    %swap3A_422 = arith.constant 0 : index
    %swap3A_423 = vector.load %arg17[%swap3A_421, %swap3A_422] : memref<13520x64xf32, #tpu.memory_space<vmem>>, vector<432x64xf32>
    tpu.vector_store %arg17[%swap3A_421, %swap3A_422], %add3A_420 {strides = array<i32>} : memref<13520x64xf32, #tpu.memory_space<vmem>>, vector<432x64xf32>,
    %iota3A_424 = tpu.iota {dimensions = array<i32: 0>} : vector<11664x1xi32>
    %jit3A_425 = arith.constant 2916 : i32
    %div3A_426 = vector.broadcast %jit3A_425 : i32 to vector<11664x1xi32>
    %div3A_427 = arith.divsi %iota3A_424, %div3A_426 : vector<11664x1xi32>
    %sign3A_428 = arith.constant 0 : i32
    %sign3A_429 = vector.broadcast %sign3A_428 : i32 to vector<11664x1xi32>
    %sign3A_430 = arith.cmpi sgt, %iota3A_424, %sign3A_429 : vector<11664x1xi32>
    %sign3A_431 = arith.extui %sign3A_430 : vector<11664x1xi1> to vector<11664x1xi32>
    %sign3A_432 = arith.constant 0 : i32
    %sign3A_433 = vector.broadcast %sign3A_432 : i32 to vector<11664x1xi32>
    %sign3A_434 = arith.cmpi slt, %iota3A_424, %sign3A_433 : vector<11664x1xi32>
    %sign3A_435 = arith.extui %sign3A_434 : vector<11664x1xi1> to vector<11664x1xi32>
    %sign3A_436 = arith.subi %sign3A_431, %sign3A_435 : vector<11664x1xi32>
    %sign3A_437 = arith.constant 0 : i32
    %sign3A_438 = arith.cmpi sgt, %jit3A_425, %sign3A_437 : i32
    %sign3A_439 = arith.extui %sign3A_438 : i1 to i32
    %sign3A_440 = arith.constant 0 : i32
    %sign3A_441 = arith.cmpi slt, %jit3A_425, %sign3A_440 : i32
    %sign3A_442 = arith.extui %sign3A_441 : i1 to i32
    %sign3A_443 = arith.subi %sign3A_439, %sign3A_442 : i32
    %ne3A_444 = vector.broadcast %sign3A_443 : i32 to vector<11664x1xi32>
    %ne3A_445 = arith.cmpi ne, %sign3A_436, %ne3A_444 : vector<11664x1xi32>
    %rem3A_446 = vector.broadcast %jit3A_425 : i32 to vector<11664x1xi32>
    %rem3A_447 = arith.remsi %iota3A_424, %rem3A_446 : vector<11664x1xi32>
    %ne3A_448 = arith.constant 0 : i32
    %ne3A_449 = vector.broadcast %ne3A_448 : i32 to vector<11664x1xi32>
    %ne3A_450 = arith.cmpi ne, %rem3A_447, %ne3A_449 : vector<11664x1xi32>
    %and3A_451 = arith.andi %ne3A_445, %ne3A_450 : vector<11664x1xi1>
    %sub3A_452 = arith.constant 1 : i32
    %sub3A_453 = vector.broadcast %sub3A_452 : i32 to vector<11664x1xi32>
    %sub3A_454 = arith.subi %div3A_427, %sub3A_453 : vector<11664x1xi32>
    %select_n3A_455 = arith.select %and3A_451, %sub3A_454, %div3A_427 : vector<11664x1xi1>, vector<11664x1xi32>
    %get3A_456 = arith.constant 0 : index
    %get3A_457 = arith.constant 0 : index
    %get3A_458 = vector.load %arg10[%get3A_456, %get3A_457] : memref<4x64xf32, #tpu.memory_space<vmem>>, vector<4x64xf32>
    %get3A_459 = arith.constant 0 : index
    %get3A_460 = arith.constant 0 : index
    %get3A_461 = vector.load %arg15[%get3A_459, %get3A_460] : memref<256x64xf32, #tpu.memory_space<vmem>>, vector<64x64xf32>
    %dot_general3A_462 = arith.constant dense<0.000000e+00> : vector<4x64xf32>
    %dot_general3A_463 = tpu.matmul %get3A_458, %get3A_461, %dot_general3A_462 {dimension_numbers = #tpu.dot_dimension_numbers<[1], [0], [0], [1], [0, 0, 1, 1], [], []>, transpose_lhs_hint = false} : vector<4x64xf32>, vector<64x64xf32>, vector<4x64xf32> -> vector<4x64xf32>
    %iota3A_464 = tpu.iota {dimensions = array<i32: 1>} : vector<11664x4xi32>
    %eq3A_465 = vector.broadcast %select_n3A_455 : vector<11664x1xi32> to vector<11664x4xi32>
    %eq3A_466 = arith.cmpi eq, %iota3A_464, %eq3A_465 : vector<11664x4xi32>
    %convert_element_type3A_467 = arith.extui %eq3A_466 : vector<11664x4xi1> to vector<11664x4xi32>
    %convert_element_type3A_468 = arith.sitofp %convert_element_type3A_467 : vector<11664x4xi32> to vector<11664x4xf32>
    %dot_general3A_469 = arith.constant dense<0.000000e+00> : vector<11664x64xf32>
    %dot_general3A_470 = tpu.matmul %convert_element_type3A_468, %dot_general3A_463, %dot_general3A_469 {dimension_numbers = #tpu.dot_dimension_numbers<[1], [0], [0], [1], [0, 0, 1, 1], [], []>, transpose_lhs_hint = false} : vector<11664x4xf32>, vector<4x64xf32>, vector<11664x64xf32> -> vector<11664x64xf32>
    %jit3A_471 = arith.constant 54 : i32
    %div3A_472 = vector.broadcast %jit3A_471 : i32 to vector<11664x1xi32>
    %div3A_473 = arith.divsi %iota3A_424, %div3A_472 : vector<11664x1xi32>
    %sign3A_474 = arith.constant 0 : i32
    %sign3A_475 = vector.broadcast %sign3A_474 : i32 to vector<11664x1xi32>
    %sign3A_476 = arith.cmpi sgt, %iota3A_424, %sign3A_475 : vector<11664x1xi32>
    %sign3A_477 = arith.extui %sign3A_476 : vector<11664x1xi1> to vector<11664x1xi32>
    %sign3A_478 = arith.constant 0 : i32
    %sign3A_479 = vector.broadcast %sign3A_478 : i32 to vector<11664x1xi32>
    %sign3A_480 = arith.cmpi slt, %iota3A_424, %sign3A_479 : vector<11664x1xi32>
    %sign3A_481 = arith.extui %sign3A_480 : vector<11664x1xi1> to vector<11664x1xi32>
    %sign3A_482 = arith.subi %sign3A_477, %sign3A_481 : vector<11664x1xi32>
    %sign3A_483 = arith.constant 0 : i32
    %sign3A_484 = arith.cmpi sgt, %jit3A_471, %sign3A_483 : i32
    %sign3A_485 = arith.extui %sign3A_484 : i1 to i32
    %sign3A_486 = arith.constant 0 : i32
    %sign3A_487 = arith.cmpi slt, %jit3A_471, %sign3A_486 : i32
    %sign3A_488 = arith.extui %sign3A_487 : i1 to i32
    %sign3A_489 = arith.subi %sign3A_485, %sign3A_488 : i32
    %ne3A_490 = vector.broadcast %sign3A_489 : i32 to vector<11664x1xi32>
    %ne3A_491 = arith.cmpi ne, %sign3A_482, %ne3A_490 : vector<11664x1xi32>
    %rem3A_492 = vector.broadcast %jit3A_471 : i32 to vector<11664x1xi32>
    %rem3A_493 = arith.remsi %iota3A_424, %rem3A_492 : vector<11664x1xi32>
    %ne3A_494 = arith.constant 0 : i32
    %ne3A_495 = vector.broadcast %ne3A_494 : i32 to vector<11664x1xi32>
    %ne3A_496 = arith.cmpi ne, %rem3A_493, %ne3A_495 : vector<11664x1xi32>
    %and3A_497 = arith.andi %ne3A_491, %ne3A_496 : vector<11664x1xi1>
    %sub3A_498 = arith.constant 1 : i32
    %sub3A_499 = vector.broadcast %sub3A_498 : i32 to vector<11664x1xi32>
    %sub3A_500 = arith.subi %div3A_473, %sub3A_499 : vector<11664x1xi32>
    %select_n3A_501 = arith.select %and3A_497, %sub3A_500, %div3A_473 : vector<11664x1xi1>, vector<11664x1xi32>
    %jit3A_502 = arith.constant 54 : i32
    %eq3A_503 = arith.constant 0 : i32
    %eq3A_504 = arith.cmpi eq, %jit3A_502, %eq3A_503 : i32
    %jit3A_505 = arith.constant 1 : i32
    %select_n3A_506 = arith.select %eq3A_504, %jit3A_505, %jit3A_502 : i32
    %rem3A_507 = vector.broadcast %select_n3A_506 : i32 to vector<11664x1xi32>
    %rem3A_508 = arith.remsi %select_n3A_501, %rem3A_507 : vector<11664x1xi32>
    %ne3A_509 = arith.constant 0 : i32
    %ne3A_510 = vector.broadcast %ne3A_509 : i32 to vector<11664x1xi32>
    %ne3A_511 = arith.cmpi ne, %rem3A_508, %ne3A_510 : vector<11664x1xi32>
    %lt3A_512 = arith.constant 0 : i32
    %lt3A_513 = vector.broadcast %lt3A_512 : i32 to vector<11664x1xi32>
    %lt3A_514 = arith.cmpi slt, %rem3A_508, %lt3A_513 : vector<11664x1xi32>
    %lt3A_515 = arith.constant 0 : i32
    %lt3A_516 = arith.cmpi slt, %select_n3A_506, %lt3A_515 : i32
    %ne3A_517 = vector.broadcast %lt3A_516 : i1 to vector<11664x1xi1>
    %ne3A_518 = vector.broadcast %ne3A_517 : vector<11664x1xi1> to vector<11664x1xi1>
    %ne3A_519 = arith.xori %lt3A_514, %ne3A_518 : vector<11664x1xi1>
    %and3A_520 = arith.andi %ne3A_519, %ne3A_511 : vector<11664x1xi1>
    %add3A_521 = vector.broadcast %select_n3A_506 : i32 to vector<11664x1xi32>
    %add3A_522 = arith.addi %rem3A_508, %add3A_521 : vector<11664x1xi32>
    %select_n3A_523 = arith.select %and3A_520, %add3A_522, %rem3A_508 : vector<11664x1xi1>, vector<11664x1xi32>
    %get3A_524 = arith.constant 0 : index
    %get3A_525 = arith.constant 0 : index
    %get3A_526 = vector.load %arg12[%get3A_524, %get3A_525] : memref<54x64xf32, #tpu.memory_space<vmem>>, vector<54x64xf32>
    %get3A_527 = arith.constant 64 : index
    %get3A_528 = arith.constant 0 : index
    %get3A_529 = vector.load %arg15[%get3A_527, %get3A_528] : memref<256x64xf32, #tpu.memory_space<vmem>>, vector<64x64xf32>
    %dot_general3A_530 = arith.constant dense<0.000000e+00> : vector<54x64xf32>
    %dot_general3A_531 = tpu.matmul %get3A_526, %get3A_529, %dot_general3A_530 {dimension_numbers = #tpu.dot_dimension_numbers<[1], [0], [0], [1], [0, 0, 1, 1], [], []>, transpose_lhs_hint = false} : vector<54x64xf32>, vector<64x64xf32>, vector<54x64xf32> -> vector<54x64xf32>
    %iota3A_532 = tpu.iota {dimensions = array<i32: 1>} : vector<11664x54xi32>
    %eq3A_533 = vector.broadcast %select_n3A_523 : vector<11664x1xi32> to vector<11664x54xi32>
    %eq3A_534 = arith.cmpi eq, %iota3A_532, %eq3A_533 : vector<11664x54xi32>
    %convert_element_type3A_535 = arith.extui %eq3A_534 : vector<11664x54xi1> to vector<11664x54xi32>
    %convert_element_type3A_536 = arith.sitofp %convert_element_type3A_535 : vector<11664x54xi32> to vector<11664x54xf32>
    %dot_general3A_537 = arith.constant dense<0.000000e+00> : vector<11664x64xf32>
    %dot_general3A_538 = tpu.matmul %convert_element_type3A_536, %dot_general3A_531, %dot_general3A_537 {dimension_numbers = #tpu.dot_dimension_numbers<[1], [0], [0], [1], [0, 0, 1, 1], [], []>, transpose_lhs_hint = false} : vector<11664x54xf32>, vector<54x64xf32>, vector<11664x64xf32> -> vector<11664x64xf32>
    %add3A_539 = arith.addf %dot_general3A_470, %dot_general3A_538 : vector<11664x64xf32>
    %jit3A_540 = arith.constant 54 : i32
    %eq3A_541 = arith.constant 0 : i32
    %eq3A_542 = arith.cmpi eq, %jit3A_540, %eq3A_541 : i32
    %jit3A_543 = arith.constant 1 : i32
    %select_n3A_544 = arith.select %eq3A_542, %jit3A_543, %jit3A_540 : i32
    %rem3A_545 = vector.broadcast %select_n3A_544 : i32 to vector<11664x1xi32>
    %rem3A_546 = arith.remsi %iota3A_424, %rem3A_545 : vector<11664x1xi32>
    %ne3A_547 = arith.constant 0 : i32
    %ne3A_548 = vector.broadcast %ne3A_547 : i32 to vector<11664x1xi32>
    %ne3A_549 = arith.cmpi ne, %rem3A_546, %ne3A_548 : vector<11664x1xi32>
    %lt3A_550 = arith.constant 0 : i32
    %lt3A_551 = vector.broadcast %lt3A_550 : i32 to vector<11664x1xi32>
    %lt3A_552 = arith.cmpi slt, %rem3A_546, %lt3A_551 : vector<11664x1xi32>
    %lt3A_553 = arith.constant 0 : i32
    %lt3A_554 = arith.cmpi slt, %select_n3A_544, %lt3A_553 : i32
    %ne3A_555 = vector.broadcast %lt3A_554 : i1 to vector<11664x1xi1>
    %ne3A_556 = vector.broadcast %ne3A_555 : vector<11664x1xi1> to vector<11664x1xi1>
    %ne3A_557 = arith.xori %lt3A_552, %ne3A_556 : vector<11664x1xi1>
    %and3A_558 = arith.andi %ne3A_557, %ne3A_549 : vector<11664x1xi1>
    %add3A_559 = vector.broadcast %select_n3A_544 : i32 to vector<11664x1xi32>
    %add3A_560 = arith.addi %rem3A_546, %add3A_559 : vector<11664x1xi32>
    %select_n3A_561 = arith.select %and3A_558, %add3A_560, %rem3A_546 : vector<11664x1xi1>, vector<11664x1xi32>
    %get3A_562 = arith.constant 0 : index
    %get3A_563 = arith.constant 0 : index
    %get3A_564 = vector.load %arg12[%get3A_562, %get3A_563] : memref<54x64xf32, #tpu.memory_space<vmem>>, vector<54x64xf32>
    %get3A_565 = arith.constant 128 : index
    %get3A_566 = arith.constant 0 : index
    %get3A_567 = vector.load %arg15[%get3A_565, %get3A_566] : memref<256x64xf32, #tpu.memory_space<vmem>>, vector<64x64xf32>
    %dot_general3A_568 = arith.constant dense<0.000000e+00> : vector<54x64xf32>
    %dot_general3A_569 = tpu.matmul %get3A_564, %get3A_567, %dot_general3A_568 {dimension_numbers = #tpu.dot_dimension_numbers<[1], [0], [0], [1], [0, 0, 1, 1], [], []>, transpose_lhs_hint = false} : vector<54x64xf32>, vector<64x64xf32>, vector<54x64xf32> -> vector<54x64xf32>
    %iota3A_570 = tpu.iota {dimensions = array<i32: 1>} : vector<11664x54xi32>
    %eq3A_571 = vector.broadcast %select_n3A_561 : vector<11664x1xi32> to vector<11664x54xi32>
    %eq3A_572 = arith.cmpi eq, %iota3A_570, %eq3A_571 : vector<11664x54xi32>
    %convert_element_type3A_573 = arith.extui %eq3A_572 : vector<11664x54xi1> to vector<11664x54xi32>
    %convert_element_type3A_574 = arith.sitofp %convert_element_type3A_573 : vector<11664x54xi32> to vector<11664x54xf32>
    %dot_general3A_575 = arith.constant dense<0.000000e+00> : vector<11664x64xf32>
    %dot_general3A_576 = tpu.matmul %convert_element_type3A_574, %dot_general3A_569, %dot_general3A_575 {dimension_numbers = #tpu.dot_dimension_numbers<[1], [0], [0], [1], [0, 0, 1, 1], [], []>, transpose_lhs_hint = false} : vector<11664x54xf32>, vector<54x64xf32>, vector<11664x64xf32> -> vector<11664x64xf32>
    %add3A_577 = arith.addf %add3A_539, %dot_general3A_576 : vector<11664x64xf32>
    %slice3A_578 = vector.extract_strided_slice %get3A_1 {offsets = [3, 0], sizes = [1, 64], strides = [1, 1]} : vector<4x64xf32> to vector<1x64xf32>
    %get3A_579 = arith.constant 192 : index
    %get3A_580 = arith.constant 0 : index
    %get3A_581 = vector.load %arg15[%get3A_579, %get3A_580] : memref<256x64xf32, #tpu.memory_space<vmem>>, vector<64x64xf32>
    %dot_general3A_582 = arith.constant dense<0.000000e+00> : vector<1x64xf32>
    %dot_general3A_583 = tpu.matmul %slice3A_578, %get3A_581, %dot_general3A_582 {dimension_numbers = #tpu.dot_dimension_numbers<[1], [0], [0], [1], [0, 0, 1, 1], [], []>, transpose_lhs_hint = false} : vector<1x64xf32>, vector<64x64xf32>, vector<1x64xf32> -> vector<1x64xf32>
    %get3A_584 = arith.constant 0 : index
    %get3A_585 = arith.constant 0 : index
    %get3A_586 = vector.load %arg16[%get3A_584, %get3A_585] : memref<1x64xf32, #tpu.memory_space<vmem>>, vector<1x64xf32>
    %add3A_587 = arith.addf %dot_general3A_583, %get3A_586 : vector<1x64xf32>
    %add3A_588 = vector.broadcast %add3A_587 : vector<1x64xf32> to vector<11664x64xf32>
    %add3A_589 = arith.addf %add3A_577, %add3A_588 : vector<11664x64xf32>
    %swap3A_590 = arith.constant 1856 : index
    %swap3A_591 = arith.constant 0 : index
    %swap3A_592 = vector.load %arg17[%swap3A_590, %swap3A_591] : memref<13520x64xf32, #tpu.memory_space<vmem>>, vector<11664x64xf32>
    tpu.vector_store %arg17[%swap3A_590, %swap3A_591], %add3A_589 {strides = array<i32>} : memref<13520x64xf32, #tpu.memory_space<vmem>>, vector<11664x64xf32>,
    return
  }
}

module attributes {stable_mosaic.version = 14 : i64} {
  func.func @_cidx_body(%arg0: i32, %arg1: memref<512x19xi32, #tpu.memory_space<vmem>>, %arg2: memref<512x19xi32, #tpu.memory_space<vmem>>, %arg3: memref<512x19xi32, #tpu.memory_space<vmem>>, %arg4: memref<512x9xi32, #tpu.memory_space<vmem>>, %arg5: memref<512x9xi32, #tpu.memory_space<vmem>>, %arg6: memref<512x54xi32, #tpu.memory_space<vmem>>, %arg7: memref<512x54xi32, #tpu.memory_space<vmem>>, %arg8: memref<512x54xi32, #tpu.memory_space<vmem>>, %arg9: memref<512x72xi32, #tpu.memory_space<vmem>>, %arg10: memref<512x72xi32, #tpu.memory_space<vmem>>, %arg11: memref<512x72xi32, #tpu.memory_space<vmem>>, %arg12: memref<512x154xi32, #tpu.memory_space<vmem>>) attributes {dimension_semantics = [#tpu.dimension_semantics<arbitrary>], iteration_bounds = array<i64: 32>, scalar_prefetch = 0 : i64, scratch_operands = 0 : i64, tpu.core_type = #tpu.core_type<tc>, window_params = [{transform_indices = @transform_0, window_bounds = array<i64: 512, 19>}, {transform_indices = @transform_1, window_bounds = array<i64: 512, 19>}, {transform_indices = @transform_2, window_bounds = array<i64: 512, 19>}, {transform_indices = @transform_3, window_bounds = array<i64: 512, 9>}, {transform_indices = @transform_4, window_bounds = array<i64: 512, 9>}, {transform_indices = @transform_5, window_bounds = array<i64: 512, 54>}, {transform_indices = @transform_6, window_bounds = array<i64: 512, 54>}, {transform_indices = @transform_7, window_bounds = array<i64: 512, 54>}, {transform_indices = @transform_8, window_bounds = array<i64: 512, 72>}, {transform_indices = @transform_9, window_bounds = array<i64: 512, 72>}, {transform_indices = @transform_10, window_bounds = array<i64: 512, 72>}, {transform_indices = @transform_11, window_bounds = array<i64: 512, 154>}]} {
    %get3A = arith.constant 0 : index
    %get3A_0 = arith.constant 0 : index
    %get3A_1 = vector.load %arg1[%get3A, %get3A_0] : memref<512x19xi32, #tpu.memory_space<vmem>>, vector<512x19xi32>
    %mul3A = arith.constant 12 : i32
    %mul3A_2 = vector.broadcast %mul3A : i32 to vector<512x19xi32>
    %mul3A_3 = arith.muli %get3A_1, %mul3A_2 : vector<512x19xi32>
    %get3A_4 = arith.constant 0 : index
    %get3A_5 = arith.constant 0 : index
    %get3A_6 = vector.load %arg2[%get3A_4, %get3A_5] : memref<512x19xi32, #tpu.memory_space<vmem>>, vector<512x19xi32>
    %add3A = arith.addi %mul3A_3, %get3A_6 : vector<512x19xi32>
    %mul3A_7 = arith.constant 19 : i32
    %mul3A_8 = vector.broadcast %mul3A_7 : i32 to vector<512x19xi32>
    %mul3A_9 = arith.muli %add3A, %mul3A_8 : vector<512x19xi32>
    %get3A_10 = arith.constant 0 : index
    %get3A_11 = arith.constant 0 : index
    %get3A_12 = vector.load %arg3[%get3A_10, %get3A_11] : memref<512x19xi32, #tpu.memory_space<vmem>>, vector<512x19xi32>
    %add3A_13 = arith.addi %mul3A_9, %get3A_12 : vector<512x19xi32>
    %swap3A = arith.constant 0 : index
    %swap3A_14 = arith.constant 0 : index
    %swap3A_15 = vector.load %arg12[%swap3A, %swap3A_14] : memref<512x154xi32, #tpu.memory_space<vmem>>, vector<512x19xi32>
    tpu.vector_store %arg12[%swap3A, %swap3A_14], %add3A_13 {strides = array<i32>} : memref<512x154xi32, #tpu.memory_space<vmem>>, vector<512x19xi32>,
    %get3A_16 = arith.constant 0 : index
    %get3A_17 = arith.constant 0 : index
    %get3A_18 = vector.load %arg4[%get3A_16, %get3A_17] : memref<512x9xi32, #tpu.memory_space<vmem>>, vector<512x9xi32>
    %mul3A_19 = arith.constant 9 : i32
    %mul3A_20 = vector.broadcast %mul3A_19 : i32 to vector<512x9xi32>
    %mul3A_21 = arith.muli %get3A_18, %mul3A_20 : vector<512x9xi32>
    %add3A_22 = arith.constant 1368 : i32
    %add3A_23 = vector.broadcast %add3A_22 : i32 to vector<512x9xi32>
    %add3A_24 = arith.addi %add3A_23, %mul3A_21 : vector<512x9xi32>
    %get3A_25 = arith.constant 0 : index
    %get3A_26 = arith.constant 0 : index
    %get3A_27 = vector.load %arg5[%get3A_25, %get3A_26] : memref<512x9xi32, #tpu.memory_space<vmem>>, vector<512x9xi32>
    %add3A_28 = arith.addi %add3A_24, %get3A_27 : vector<512x9xi32>
    %swap3A_29 = arith.constant 0 : index
    %swap3A_30 = arith.constant 19 : index
    %swap3A_31 = vector.load %arg12[%swap3A_29, %swap3A_30] : memref<512x154xi32, #tpu.memory_space<vmem>>, vector<512x9xi32>
    tpu.vector_store %arg12[%swap3A_29, %swap3A_30], %add3A_28 {strides = array<i32>} : memref<512x154xi32, #tpu.memory_space<vmem>>, vector<512x9xi32>,
    %get3A_32 = arith.constant 0 : index
    %get3A_33 = arith.constant 0 : index
    %get3A_34 = vector.load %arg6[%get3A_32, %get3A_33] : memref<512x54xi32, #tpu.memory_space<vmem>>, vector<512x54xi32>
    %mul3A_35 = arith.constant 2 : i32
    %mul3A_36 = vector.broadcast %mul3A_35 : i32 to vector<512x54xi32>
    %mul3A_37 = arith.muli %get3A_34, %mul3A_36 : vector<512x54xi32>
    %get3A_38 = arith.constant 0 : index
    %get3A_39 = arith.constant 0 : index
    %get3A_40 = vector.load %arg7[%get3A_38, %get3A_39] : memref<512x54xi32, #tpu.memory_space<vmem>>, vector<512x54xi32>
    %add3A_41 = arith.addi %mul3A_37, %get3A_40 : vector<512x54xi32>
    %mul3A_42 = arith.constant 54 : i32
    %mul3A_43 = vector.broadcast %mul3A_42 : i32 to vector<512x54xi32>
    %mul3A_44 = arith.muli %add3A_41, %mul3A_43 : vector<512x54xi32>
    %add3A_45 = arith.constant 1424 : i32
    %add3A_46 = vector.broadcast %add3A_45 : i32 to vector<512x54xi32>
    %add3A_47 = arith.addi %add3A_46, %mul3A_44 : vector<512x54xi32>
    %get3A_48 = arith.constant 0 : index
    %get3A_49 = arith.constant 0 : index
    %get3A_50 = vector.load %arg8[%get3A_48, %get3A_49] : memref<512x54xi32, #tpu.memory_space<vmem>>, vector<512x54xi32>
    %add3A_51 = arith.addi %add3A_47, %get3A_50 : vector<512x54xi32>
    %swap3A_52 = arith.constant 0 : index
    %swap3A_53 = arith.constant 28 : index
    %swap3A_54 = vector.load %arg12[%swap3A_52, %swap3A_53] : memref<512x154xi32, #tpu.memory_space<vmem>>, vector<512x54xi32>
    tpu.vector_store %arg12[%swap3A_52, %swap3A_53], %add3A_51 {strides = array<i32>} : memref<512x154xi32, #tpu.memory_space<vmem>>, vector<512x54xi32>,
    %get3A_55 = arith.constant 0 : index
    %get3A_56 = arith.constant 0 : index
    %get3A_57 = vector.load %arg9[%get3A_55, %get3A_56] : memref<512x72xi32, #tpu.memory_space<vmem>>, vector<512x72xi32>
    %mul3A_58 = arith.constant 54 : i32
    %mul3A_59 = vector.broadcast %mul3A_58 : i32 to vector<512x72xi32>
    %mul3A_60 = arith.muli %get3A_57, %mul3A_59 : vector<512x72xi32>
    %get3A_61 = arith.constant 0 : index
    %get3A_62 = arith.constant 0 : index
    %get3A_63 = vector.load %arg10[%get3A_61, %get3A_62] : memref<512x72xi32, #tpu.memory_space<vmem>>, vector<512x72xi32>
    %add3A_64 = arith.addi %mul3A_60, %get3A_63 : vector<512x72xi32>
    %mul3A_65 = arith.constant 54 : i32
    %mul3A_66 = vector.broadcast %mul3A_65 : i32 to vector<512x72xi32>
    %mul3A_67 = arith.muli %add3A_64, %mul3A_66 : vector<512x72xi32>
    %add3A_68 = arith.constant 1856 : i32
    %add3A_69 = vector.broadcast %add3A_68 : i32 to vector<512x72xi32>
    %add3A_70 = arith.addi %add3A_69, %mul3A_67 : vector<512x72xi32>
    %get3A_71 = arith.constant 0 : index
    %get3A_72 = arith.constant 0 : index
    %get3A_73 = vector.load %arg11[%get3A_71, %get3A_72] : memref<512x72xi32, #tpu.memory_space<vmem>>, vector<512x72xi32>
    %add3A_74 = arith.addi %add3A_70, %get3A_73 : vector<512x72xi32>
    %swap3A_75 = arith.constant 0 : index
    %swap3A_76 = arith.constant 82 : index
    %swap3A_77 = vector.load %arg12[%swap3A_75, %swap3A_76] : memref<512x154xi32, #tpu.memory_space<vmem>>, vector<512x72xi32>
    tpu.vector_store %arg12[%swap3A_75, %swap3A_76], %add3A_74 {strides = array<i32>} : memref<512x154xi32, #tpu.memory_space<vmem>>, vector<512x72xi32>,
    return
  }
  func.func @transform_0(%arg0: i32) -> (i32, i32) {
    %c0_i32 = arith.constant 0 : i32
    %c0_i32_0 = arith.constant 0 : i32
    return %arg0, %c0_i32 : i32, i32
  }
  func.func @transform_1(%arg0: i32) -> (i32, i32) {
    %c0_i32 = arith.constant 0 : i32
    %c0_i32_0 = arith.constant 0 : i32
    return %arg0, %c0_i32 : i32, i32
  }
  func.func @transform_2(%arg0: i32) -> (i32, i32) {
    %c0_i32 = arith.constant 0 : i32
    %c0_i32_0 = arith.constant 0 : i32
    return %arg0, %c0_i32 : i32, i32
  }
  func.func @transform_3(%arg0: i32) -> (i32, i32) {
    %c0_i32 = arith.constant 0 : i32
    %c0_i32_0 = arith.constant 0 : i32
    return %arg0, %c0_i32 : i32, i32
  }
  func.func @transform_4(%arg0: i32) -> (i32, i32) {
    %c0_i32 = arith.constant 0 : i32
    %c0_i32_0 = arith.constant 0 : i32
    return %arg0, %c0_i32 : i32, i32
  }
  func.func @transform_5(%arg0: i32) -> (i32, i32) {
    %c0_i32 = arith.constant 0 : i32
    %c0_i32_0 = arith.constant 0 : i32
    return %arg0, %c0_i32 : i32, i32
  }
  func.func @transform_6(%arg0: i32) -> (i32, i32) {
    %c0_i32 = arith.constant 0 : i32
    %c0_i32_0 = arith.constant 0 : i32
    return %arg0, %c0_i32 : i32, i32
  }
  func.func @transform_7(%arg0: i32) -> (i32, i32) {
    %c0_i32 = arith.constant 0 : i32
    %c0_i32_0 = arith.constant 0 : i32
    return %arg0, %c0_i32 : i32, i32
  }
  func.func @transform_8(%arg0: i32) -> (i32, i32) {
    %c0_i32 = arith.constant 0 : i32
    %c0_i32_0 = arith.constant 0 : i32
    return %arg0, %c0_i32 : i32, i32
  }
  func.func @transform_9(%arg0: i32) -> (i32, i32) {
    %c0_i32 = arith.constant 0 : i32
    %c0_i32_0 = arith.constant 0 : i32
    return %arg0, %c0_i32 : i32, i32
  }
  func.func @transform_10(%arg0: i32) -> (i32, i32) {
    %c0_i32 = arith.constant 0 : i32
    %c0_i32_0 = arith.constant 0 : i32
    return %arg0, %c0_i32 : i32, i32
  }
  func.func @transform_11(%arg0: i32) -> (i32, i32) {
    %c0_i32 = arith.constant 0 : i32
    %c0_i32_0 = arith.constant 0 : i32
    return %arg0, %c0_i32 : i32, i32
  }
}

</mosaic_0001>

<sc_bundles>
// kernel: kernel.5.cloned.1.call-start
scs
__scs_entry_jumppad:
0x0: {  	(pc) =	sbr.rel $0x88, $3  }
0x1: {  	(tag) =	ssettag $0x0;
	lr =	simm.s32 $0x1  }
0x2: {  	[smem:$0x3F85] =	sst lr;
	_ =	strace $0xD0000000  }
0x3: {  	_ = 	snop  }
0x4: {  	_ = 	snop  }
0x5: {  	_ = 	snop  }
0x6: {  	_ = 	snop  }
0x7: {  	_ = 	snop  }
__scs_overlays_trampoline_lowered:
0x8: {  	[smem:$0x3F94] =	sst s0  }
0x9: {  	[smem:$0x3F95] =	sst s1  }
0xa: {  	[smem:$0x3F96] =	sst s2  }
0xb: {  	[smem:$0x3F97] =	sst s3  }
0xc: {  	[smem:$0x3F98] =	sst s4  }
0xd: {  	[smem:$0x3F99] =	sst s5  }
0xe: {  	[smem:$0x3F9A] =	sst s6  }
0xf: {  	[smem:$0x3F9B] =	sst s7  }
0x10: {  	[smem:$0x3F9C] =	sst s8  }
0x11: {  	[smem:$0x3F9D] =	sst s9;
	s0 =	simm.s32 @!p0 $0x0  }
0x12: {  	s1 =	sld [smem:$0x3F83];
	s0 =	simm.s32 @p0 $0x1  }
0x13: {  	[smem:$0x3F9E] =	sst s0;
	s0 =	simm.s32 @!p1 $0x0  }
0x14: {  	s2 =	sld [smem:$0x3F82];
	s0 =	simm.s32 @p1 $0x1  }
0x15: {  	[smem:$0x3F9F] =	sst s0;
	s0 =	simm.s32 @!p2 $0x0  }
0x16: {  	s3 =	sld [smem:$0x3FDB];
	s0 =	simm.s32 @p2 $0x1  }
0x17: {  	s4 =	simm.s32 $0x1BF5;
	[smem:$0x3FA1] =	sst s0  }
0x18: {  	s0 =	sld [smem:$0x3F84];
	_ =	swait.ge [sflag:s4], $0x0  }
0x19: {  	s7 =	sld [smem:$0x3F85]  }
0x1a: {  	s8 =	sadd.s32 $0xFFFFE003, lr  }
0x1b: {  	s9 =	sadd.s32 $0xFFFFFEF7, lr;
	s5 =	simm.s32 $0xFFFFFFFF;
	p2 =	slt.u32 s8, $0xFFFFF086  }
0x1c: {  	p1 =	slt.u32 s9, $0xF7A;
	s5 =	simm.s32 @!p2 $0x0  }
0x1d: {  	s5 =	simm.s32 @p1 $0x1;
	p0 =	seq.s32 s7, s2  }
0x1e: {  	s7 =	smul.u32 @!p0 $0xF7A, s2;
	p2 =	seq.s32 @!p0 s5, $0x0  }
0x1f: {  	s9 =	smul.u32 $0xF7A, s1;
	s8 =	simm.s32 @!p0 $0x1BF5;
	p2 =	por !p2, p0  }
0x20: {  	[sflag:s8] =	ssyncset.s32 @!p0 $0xFFFFF086;
	s6 =	sadd.s32 @!p0 s3, s7;
	s7 =	simm.s32 @!p0 $0x108  }
0x21: {  	s3 =	sadd.s32 s3, s9;
	s6 =	sadd.s32 @!p0 $0x88, s6;
	s7 =	simm.s32 @p2 $0x1082  }
0x22: {  	[simem:s7], [sflag:s8] =	dma.local @!p0 [hbm:s6], $0xF7A  }
0x23: {  	s9 =	sor.u32 $0xD0000000, s2;
	s6 =	simm.s32 $0x108;
	_ =	swait.ge @!p0 [sflag:s8], $0x0  }
0x24: {  	s3 =	sadd.s32 $0x88, s3;
	s6 =	simm.s32 @!p1 $0x1082;
	[sflag:s4] =	ssyncset.s32 $0xFFFFF086  }
0x25: {  	[simem:s6], [sflag:s4] =	dma.local [hbm:s3], $0xF7A  }
0x26: {  	[smem:$0x3F85] =	sst s1;
	(tag) =	ssettag s2;
	_ =	strace s9  }
0x27: {  	s1 =	sld [smem:$0x3F95]  }
0x28: {  	s2 =	sld [smem:$0x3F96]  }
0x29: {  	s4 =	sld [smem:$0x3F98]  }
0x2a: {  	p0 =	seq.s32 s5, $0x0;
	s5 =	sld [smem:$0x3F99]  }
0x2b: {  	s6 =	sld [smem:$0x3F9A]  }
0x2c: {  	s7 =	sld [smem:$0x3F9B]  }
0x2d: {  	s3 =	simm.s32 $0x108;
	s8 =	sld [smem:$0x3F9C]  }
0x2e: {  	s3 =	simm.s32 @!p0 $0x1082;
	s9 =	sld [smem:$0x3F9D]  }
0x2f: {  	lr =	sadd.s32 s0, s3;
	s0 =	sld [smem:$0x3F94]  }
0x30: {  	s3 =	sld [smem:$0x3F97]  }
0x31: {  	[smem:$0x3FA0] =	sst s10  }
0x32: {  	s10 =	sld [smem:$0x3F9E];
	_ =	sdelay $0x3  }
0x33: {  	p0 =	seq.s32 s10, $0x1;
	s10 =	sld [smem:$0x3FA0];
	_ =	sdelay $0x3  }
0x34: {  	[smem:$0x3FA0] =	sst s10  }
0x35: {  	s10 =	sld [smem:$0x3F9F];
	_ =	sdelay $0x3  }
0x36: {  	p1 =	seq.s32 s10, $0x1;
	s10 =	sld [smem:$0x3FA0];
	_ =	sdelay $0x3  }
0x37: {  	[smem:$0x3FA0] =	sst s10  }
0x38: {  	s10 =	sld [smem:$0x3FA1]  }
0x39: {  	_ = 	snop;
	(pc) =	sbr.ind lr, $3  }
0x3a: {  	_ = 	snop  }
0x3b: {  	_ = 	snop  }
0x3c: {  	p2 =	seq.s32 s10, $0x1;
	s10 =	sld [smem:$0x3FA0]  }
0x3d: {  	_ =	shalt  }
0x3e: {  	_ =	shalt  }
0x3f: {  	_ =	shalt  }
0x40: {  	_ =	shalt  }
0x41: {  	_ =	shalt  }
0x42: {  	_ =	shalt  }
0x43: {  	_ =	shalt  }
0x44: {  	_ =	shalt  }
0x45: {  	_ =	shalt  }
0x46: {  	_ =	shalt  }
0x47: {  	_ =	shalt  }
0x48: {  	_ =	shalt  }
0x49: {  	_ =	shalt  }
0x4a: {  	_ =	shalt  }
0x4b: {  	_ =	shalt  }
0x4c: {  	_ =	shalt  }
0x4d: {  	_ =	shalt  }
0x4e: {  	_ =	shalt  }
0x4f: {  	_ =	shalt  }
0x50: {  	_ =	shalt  }
0x51: {  	_ =	shalt  }
0x52: {  	_ =	shalt  }
0x53: {  	_ =	shalt  }
0x54: {  	_ =	shalt  }
0x55: {  	_ =	shalt  }
0x56: {  	_ =	shalt  }
0x57: {  	_ =	shalt  }
0x58: {  	_ =	shalt  }
0x59: {  	_ =	shalt  }
0x5a: {  	_ =	shalt  }
0x5b: {  	_ =	shalt  }
0x5c: {  	_ =	shalt  }
0x5d: {  	_ =	shalt  }
0x5e: {  	_ =	shalt  }
0x5f: {  	_ =	shalt  }
0x60: {  	_ =	shalt  }
0x61: {  	_ =	shalt  }
0x62: {  	_ =	shalt  }
0x63: {  	_ =	shalt  }
0x64: {  	_ =	shalt  }
0x65: {  	_ =	shalt  }
0x66: {  	_ =	shalt  }
0x67: {  	_ =	shalt  }
0x68: {  	_ =	shalt  }
0x69: {  	_ =	shalt  }
0x6a: {  	_ =	shalt  }
0x6b: {  	_ =	shalt  }
0x6c: {  	_ =	shalt  }
0x6d: {  	_ =	shalt  }
0x6e: {  	_ =	shalt  }
0x6f: {  	_ =	shalt  }
0x70: {  	_ =	shalt  }
0x71: {  	_ =	shalt  }
0x72: {  	_ =	shalt  }
0x73: {  	_ =	shalt  }
0x74: {  	_ =	shalt  }
0x75: {  	_ =	shalt  }
0x76: {  	_ =	shalt  }
0x77: {  	_ =	shalt  }
0x78: {  	_ =	shalt  }
0x79: {  	_ =	shalt  }
0x7a: {  	_ =	shalt  }
0x7b: {  	_ =	shalt  }
0x7c: {  	_ =	shalt  }
0x7d: {  	_ =	shalt  }
0x7e: {  	_ =	shalt  }
0x7f: {  	_ =	shalt  }
0x80: {  	_ =	shalt  }
0x81: {  	_ =	shalt  }
0x82: {  	_ =	shalt  }
0x83: {  	_ =	shalt  }
0x84: {  	_ =	shalt  }
0x85: {  	_ =	shalt  }
0x86: {  	_ =	shalt  }
0x87: {  	_ =	shalt  }
.Lfunc_end0:
.L_simem_size_0:
called_computation.1_lowered:
.L_overlay_start_0:
0x88: {  	s2 =	sld [smem:$0x3FD9]  }
0x89: {  	s3 =	sld [smem:$0x3FFE];
	_ =	sdelay $0x1  }
0x8a: {  	s1 =	srdreg.scid  }
0x8b: {  	s0 =	sand.u32 $0x1, s1  }
0x8c: {  	s17 =	sshll.u32 s0, $0xA;
	s2 =	sadd.s32 s3, s2  }
0x8d: {  	s2 =	sadd.s32 s2, s17  }
0x8e: {  	[smem:$0x3FAC] =	sst s2  }
0x8f: {  	_ = 	snop  }
0x90: {  	s2 =	sld [smem:$0x3FD0];
	(tm) =	ssettm $0x1  }
0x91: {  	s18 =	sld [smem:$0x3FFB];
	_ =	sdelay $0x3  }
0x92: {  	_ =	strace s18  }
0x93: {  	s3 =	sld [smem:$0x3FFC];
	_ =	sdelay $0x3  }
0x94: {  	_ =	strace s3  }
0x95: {  	s3 =	sld [smem:$0x3FFD];
	_ =	sdelay $0x3  }
0x96: {  	_ =	strace s3  }
0x97: {  	_ =	strace $0x8FFFFFFF  }
0x98: {  	s19 =	sld [smem:$0x3FDB];
	_ =	sdelay $0x1  }
0x99: {  	s4 =	simm.s32 $_scs_section_size  }
0x9a: {  	s5 =	simm.s32 $_size__tile_overlayer_lowered;
	s6 =	simm.s32 $_tile_overlayer_lowered  }
0x9b: {  	s22 =	simm.s32 $0x1BFF;
	s21 =	sshll.u32 s6, $0x1;
	s3 =	sadd.s32 s4, s19  }
0x9c: {  	s7 =	simm.s32 $0x0;
	s20 =	sshll.u32 s5, $0x1;
	s5 =	sadd.s32 s21, s3  }
0x9d: {  	[timem:s7], [sflag:s22] =	dma.local [hbm:s5], s20  }
0x9e: {  	_ =	swait.ge [sflag:s22], s20  }
0x9f: {  	s4 =	ssub.s32 $0x0, s20;
	[sflag:s22] =	ssyncset.done $0x0  }
0xa0: {  	[sflag:s22] =	ssyncadd.s32 s4;
	_ =	sdelay $0x1  }
0xa1: {  	s23 =	simm.s32 $0x1B8B  }
0xa2: {  	_ =	swait.ge [sflag:s23], $0x1  }
0xa3: {  	[sflag:s23] =	ssyncset.done $0x0  }
0xa4: {  	s25 =	simm.s32 $0x1B8E;
	s24 =	sld [smem:$0x3FFE];
	[sflag:s23] =	ssyncadd.s32 $0xFFFFFFFF  }
0xa5: {  	s26 =	simm.s32 $execute0_lowered;
	[smem:$0x3FD2] =	sst s25  }
0xa6: {  	s5 =	sshll.u32 s26, $0x1;
	_ =	strace $0x80000046;
	[dreg:$0x1] =	wrdreg $0xFFFFFFFF  }
0xa7: {  	s28 =	simm.s32 $_size_execute0_lowered;
	s3 =	sadd.s32 s3, s5;
	[dreg:$0x0] =	wrdreg $0x0  }
0xa8: {  	s5 =	sshll.u32 s28, $0x1;
	[dreg:$0x2] =	wrdreg s3  }
0xa9: {  	[dreg:$0x3] =	wrdreg s5  }
0xaa: {  	[dreg:$0x4] =	wrdreg $0xC0  }
0xab: {  	_ =	task [dreg:s7], $0x5FFFF  }
0xac: {  	[dreg:$0x1] =	wrdreg $0xFFFFFFFF  }
0xad: {  	[dreg:$0x0] =	wrdreg $0x60  }
0xae: {  	[dreg:$0x2] =	wrdreg s24  }
0xaf: {  	[dreg:$0x3] =	wrdreg s2  }
0xb0: {  	[dreg:$0x4] =	wrdreg $0x0  }
0xb1: {  	[dreg:$0x5] =	wrdreg $0x9  }
0xb2: {  	_ =	task.clear_ibuf [dreg:s7], $0x6FFFF;
	_ =	strace $0x90000046  }
0xb3: {  	s29 =	simm.s32 $0x9;
	_ =	strace $0x80000048  }
0xb4: {  	_ =	swait.ge [sflag:s29], $0x1  }
0xb5: {  	[sflag:s29] =	ssyncadd.s32 $0xFFFFFFFF  }
0xb6: {  	_ =	strace $0x90000048  }
0xb7: {  	_ =	sfence  }
0xb8: {  	s30 =	sld [smem:$0x0];
	_ =	sdelay $0x2  }
0xb9: {  	s31 =	sshll.u32 s1, $0xD;
	s1 =	sshrl.u32 s1, $0x2  }
0xba: {  	s3 =	sand.u32 $0x4000, s31;
	s1 =	sadd.s32 s1, s30  }
0xbb: {  	s0 =	sor.u32 s3, s0;
	s1 =	sshll.u32 s1, $0x11  }
0xbc: {  	s0 =	sor.u32 s1, s0  }
0xbd: {  	s0 =	sadd.s32 $0x8F2B, s0  }
0xbe: {  	[sflag:s0] =	ssyncadd.remote.s32 $0x1  }
0xbf: {  	_ =	sfence.sel $0xFFFF  }
0xc0: {  	[dreg:$0x0] =	wrdreg $0xFFFFFFFF;
	(pc) =	sbr.abs _section_cstart, $3  }
0xc1: {  	[dreg:$0x1] =	wrdreg $0xFFFFFFFF  }
0xc2: {  	_ =	task.clear_ibuf [dreg:s7], $0x2FFFF;
	_ =	strace $0x9FFFFFFF  }
0xc3: {  	(tm) =	ssettm $0x7FFFFFFF  }
tec
execute0_lowered:
.L_overlay_start_1:
0x0: {  	(tag) =	ssettag $0x1  }
0x1: {  	s4 =	rddreg [dreg:$0x0]  }
0x2: {  	s5 =	rddreg [dreg:$0x1]  }
0x3: {  	s1 =	rddreg [dreg:$0x2]  }
0x4: {  	s0 =	rddreg [dreg:$0x3];
	s3 =	srdreg.scid  }
0x5: {  	s7 =	stileid.u32;
	s2 =	simm.s32 $0x0;
	s12 =	simm.s32 $0xD3C0  }
0x6: {  	s13 =	simm.s32 $0xF600;
	s14 =	simm.s32 $0xD440;
	s15 =	simm.s32 $0x11600  }
0x7: {  	s16 =	simm.s32 $0xD4C0;
	s17 =	simm.s32 $0x13600;
	s18 =	simm.s32 $0xD540  }
0x8: {  	s19 =	simm.s32 $0x15600;
	s20 =	simm.s32 $0x40;
	s21 =	simm.s32 $0xD5C0  }
0x9: {  	s22 =	simm.s32 $0x17600;
	s23 =	simm.s32 $0x1;
	s24 =	simm.s32 $0x0  }
0xa: {  	s6 =	sand.u32 $0x1, s3;
	s8 =	smul.u32 $0x26800, s7;
	[smem:$0x7FF] =	sst s2  }
0xb: {  	s3 =	sadd.s32 $0x4A00, s4;
	s11 =	smul.u32 $0x134000, s7;
	p0 =	sne.s32 s7, $0x0  }
0xc: {  	s9 =	smul.u32 $0x13400, s6;
	_ =	strace $0x80000047;
	s10 =	ssub.s32 $0x2, s6  }
0xd: {  	s6 =	smul.u32 $0x9A000, s6;
	s7 =	sshrl.u32 @!p0 s1, $0x3;
	s31 =	sshrl.u32 s10, $0x1  }
0xe: {  	s5 =	sadd.s32 s11, s5;
	s11 =	simm.s32 $0xD600;
	s8 =	sadd.s32 s9, s8  }
0xf: {  	s9 =	ssub.s32 s10, s31;
	s5 =	sadd.s32 s6, s5;
	s8 =	sshrl.u32 s8, $0x3  }
0x10: {  	s10 =	simm.s32 $0x80;
	s8 =	sadd.s32 s8, s4;
	s4 =	smax.u32 s9, $0x1  }
0x11: {  	s9 =	simm.s32 $0x2;
	s6 =	sadd.s32 $0x1F200, s8;
	s8 =	simm.s32 $0xD340  }
.LBB2_1:
0x12: {  	s25 =	simm.s32 @!p0 $0x1C02  }
0x13: {  	[spmem:s7], [sflag:s25] =	dma.local @!p0 [hbm:s3], $0x1A680  }
0x14: {  	s25 =	simm.s32 @!p0 $0x2  }
0x15: {  	_ =	swait.ge @!p0 [sflag:s25], $0x1A680  }
0x16: {  	[sflag:s25] =	ssyncset.done @!p0 $0x0  }
0x17: {  	[sflag:s25] =	ssyncadd.s32 @!p0 $0xFFFE5980  }
0x18: {  	s31 =	sadd.s32 $0x0, s6;
	[bflag:$0x0] =	sbarrier.arrive $0xFFFF  }
0x19: {  	[tilespmem:s8], [sflag:$0x2] =	stream.linear.gather [hbm4b:s31+s2], $0x2C0, $0x38;
	[tilespmem:$0x18600] =	vst v63  }
0x1a: {  	_ =	swait.ge [sflag:s9], $0x2C0  }
0x1b: {  	[sflag:s9] =	ssyncset.done $0x0  }
0x1c: {  	[sflag:s9] =	ssyncadd.s32 $0xFFFFFD40  }
0x1d: {  	[tilespmem:s11], [sflag:$0x1] =	stream.indirect.gather [spmem:s1], $0x40, s8, s10, $0xb8;
	[tilespmem:$0x18600] =	vst v63  }
0x1e: {  	_ = 	snop  }
0x1f: {  	[tilespmem:s13], [sflag:$0x1] =	stream.indirect.gather [spmem:s1], $0x40, s12, s10, $0xb8;
	[tilespmem:$0x18600] =	vst v63  }
0x20: {  	_ = 	snop  }
0x21: {  	[tilespmem:s15], [sflag:$0x1] =	stream.indirect.gather [spmem:s1], $0x40, s14, s10, $0xb8;
	[tilespmem:$0x18600] =	vst v63  }
0x22: {  	_ = 	snop  }
0x23: {  	[tilespmem:s17], [sflag:$0x1] =	stream.indirect.gather [spmem:s1], $0x40, s16, s10, $0xb8;
	[tilespmem:$0x18600] =	vst v63  }
0x24: {  	_ = 	snop  }
0x25: {  	[tilespmem:s19], [sflag:$0x1] =	stream.indirect.gather [spmem:s1], $0x40, s18, s10, $0xb8;
	[tilespmem:$0x18600] =	vst v63  }
0x26: {  	_ = 	snop  }
0x27: {  	[tilespmem:s22], [sflag:$0x1] =	stream.indirect.gather [spmem:s1], $0x40, s21, s20, $0xb8;
	[tilespmem:$0x18600] =	vst v63  }
0x28: {  	_ =	swait.ge [sflag:s23], $0x2000  }
0x29: {  	[sflag:s23] =	ssyncset.done $0x0  }
0x2a: {  	[sflag:s23] =	ssyncadd.s32 $0xFFFFE000  }
0x2b: {  	_ =	swait.ge [sflag:s23], $0x2000  }
0x2c: {  	[sflag:s23] =	ssyncset.done $0x0  }
0x2d: {  	[sflag:s23] =	ssyncadd.s32 $0xFFFFE000  }
0x2e: {  	_ =	swait.ge [sflag:s23], $0x2000  }
0x2f: {  	[sflag:s23] =	ssyncset.done $0x0  }
0x30: {  	[sflag:s23] =	ssyncadd.s32 $0xFFFFE000  }
0x31: {  	_ =	swait.ge [sflag:s23], $0x2000  }
0x32: {  	[sflag:s23] =	ssyncset.done $0x0  }
0x33: {  	[sflag:s23] =	ssyncadd.s32 $0xFFFFE000  }
0x34: {  	_ =	swait.ge [sflag:s23], $0x2000  }
0x35: {  	[sflag:s23] =	ssyncset.done $0x0  }
0x36: {  	[sflag:s23] =	ssyncadd.s32 $0xFFFFE000  }
0x37: {  	_ =	swait.ge [sflag:s23], $0x1000  }
0x38: {  	[sflag:s23] =	ssyncset.done $0x0  }
0x39: {  	[sflag:s23] =	ssyncadd.s32 $0xFFFFF000  }
0x3a: {  	[hbm4b:s5+s2] =	stream.linear.scatter [tilespmem:s11], [sflag:$0x2], $0xB000, $0x38;
	[tilespmem:$0x18600] =	vst v63  }
0x3b: {  	s26 =	simm.s32 $0x58;
	_ =	swait.ge [sflag:s9], $0xB000  }
0x3c: {  	s29 =	simm.s32 $0xB0;
	s25 =	sadd.s32 $0x1600, s5;
	[sflag:s9] =	ssyncset.done $0x0  }
.LBB2_2:
0x3d: {  	s30 =	sadd.s32 s26, s6  }
0x3e: {  	[sflag:s9] =	ssyncadd.s32 $0xFFFF5000;
	s26 =	smov.u32 s29;
	s28 =	sadd.s32 $0x58, s29  }
0x3f: {  	[tilespmem:s8], [sflag:$0x2] =	stream.linear.gather [hbm4b:s30+s2], $0x2C0, $0x38;
	[tilespmem:$0x18600] =	vst v63  }
0x40: {  	p1 =	sne.s32 s29, $0x2628;
	_ =	swait.ge [sflag:s9], $0x2C0  }
0x41: {  	[sflag:s9] =	ssyncset.done $0x0  }
0x42: {  	[sflag:s9] =	ssyncadd.s32 $0xFFFFFD40  }
0x43: {  	[tilespmem:s11], [sflag:$0x1] =	stream.indirect.gather [spmem:s1], $0x40, s8, s10, $0xb8;
	[tilespmem:$0x18600] =	vst v63  }
0x44: {  	_ = 	snop  }
0x45: {  	[tilespmem:s13], [sflag:$0x1] =	stream.indirect.gather [spmem:s1], $0x40, s12, s10, $0xb8;
	[tilespmem:$0x18600] =	vst v63  }
0x46: {  	_ = 	snop  }
0x47: {  	[tilespmem:s15], [sflag:$0x1] =	stream.indirect.gather [spmem:s1], $0x40, s14, s10, $0xb8;
	[tilespmem:$0x18600] =	vst v63  }
0x48: {  	_ = 	snop  }
0x49: {  	[tilespmem:s17], [sflag:$0x1] =	stream.indirect.gather [spmem:s1], $0x40, s16, s10, $0xb8;
	[tilespmem:$0x18600] =	vst v63  }
0x4a: {  	_ = 	snop  }
0x4b: {  	[tilespmem:s19], [sflag:$0x1] =	stream.indirect.gather [spmem:s1], $0x40, s18, s10, $0xb8;
	[tilespmem:$0x18600] =	vst v63  }
0x4c: {  	_ = 	snop  }
0x4d: {  	[tilespmem:s22], [sflag:$0x1] =	stream.indirect.gather [spmem:s1], $0x40, s21, s20, $0xb8;
	[tilespmem:$0x18600] =	vst v63  }
0x4e: {  	_ =	swait.ge [sflag:s23], $0x2000  }
0x4f: {  	[sflag:s23] =	ssyncset.done $0x0  }
0x50: {  	[sflag:s23] =	ssyncadd.s32 $0xFFFFE000  }
0x51: {  	_ =	swait.ge [sflag:s23], $0x2000  }
0x52: {  	[sflag:s23] =	ssyncset.done $0x0  }
0x53: {  	[sflag:s23] =	ssyncadd.s32 $0xFFFFE000  }
0x54: {  	_ =	swait.ge [sflag:s23], $0x2000  }
0x55: {  	[sflag:s23] =	ssyncset.done $0x0  }
0x56: {  	[sflag:s23] =	ssyncadd.s32 $0xFFFFE000  }
0x57: {  	_ =	swait.ge [sflag:s23], $0x2000  }
0x58: {  	[sflag:s23] =	ssyncset.done $0x0  }
0x59: {  	[sflag:s23] =	ssyncadd.s32 $0xFFFFE000  }
0x5a: {  	_ =	swait.ge [sflag:s23], $0x2000  }
0x5b: {  	[sflag:s23] =	ssyncset.done $0x0  }
0x5c: {  	[sflag:s23] =	ssyncadd.s32 $0xFFFFE000  }
0x5d: {  	_ =	swait.ge [sflag:s23], $0x1000  }
.Ltmp0:
0x5e: {  	[sflag:s23] =	ssyncset.done $0x0;
	(pc) =	sbr.rel @p1 .LBB2_2-.Ltmp0, $4  }
0x5f: {  	[sflag:s23] =	ssyncadd.s32 $0xFFFFF000  }
0x60: {  	[hbm4b:s25+s2] =	stream.linear.scatter [tilespmem:s11], [sflag:$0x2], $0xB000, $0x38;
	[tilespmem:$0x18600] =	vst v63  }
0x61: {  	_ =	swait.ge [sflag:s9], $0xB000  }
0x62: {  	s29 =	smov.u32 s28;
	s25 =	sadd.s32 $0x1600, s25;
	[sflag:s9] =	ssyncset.done $0x0  }
0x63: {  	s26 =	sadd.s32 s26, s6;
	[sflag:s9] =	ssyncadd.s32 $0xFFFF5000  }
0x64: {  	[tilespmem:s8], [sflag:$0x2] =	stream.linear.gather [hbm4b:s26+s2], $0x2C0, $0x38;
	[tilespmem:$0x18600] =	vst v63  }
0x65: {  	_ =	swait.ge [sflag:s9], $0x2C0  }
0x66: {  	[sflag:s9] =	ssyncset.done $0x0  }
0x67: {  	[sflag:s9] =	ssyncadd.s32 $0xFFFFFD40  }
0x68: {  	[tilespmem:s11], [sflag:$0x1] =	stream.indirect.gather [spmem:s1], $0x40, s8, s10, $0xb8;
	[tilespmem:$0x18600] =	vst v63  }
0x69: {  	_ = 	snop  }
0x6a: {  	[tilespmem:s13], [sflag:$0x1] =	stream.indirect.gather [spmem:s1], $0x40, s12, s10, $0xb8;
	[tilespmem:$0x18600] =	vst v63  }
0x6b: {  	_ = 	snop  }
0x6c: {  	[tilespmem:s15], [sflag:$0x1] =	stream.indirect.gather [spmem:s1], $0x40, s14, s10, $0xb8;
	[tilespmem:$0x18600] =	vst v63  }
0x6d: {  	_ = 	snop  }
0x6e: {  	[tilespmem:s17], [sflag:$0x1] =	stream.indirect.gather [spmem:s1], $0x40, s16, s10, $0xb8;
	[tilespmem:$0x18600] =	vst v63  }
0x6f: {  	_ = 	snop  }
0x70: {  	[tilespmem:s19], [sflag:$0x1] =	stream.indirect.gather [spmem:s1], $0x40, s18, s10, $0xb8;
	[tilespmem:$0x18600] =	vst v63  }
0x71: {  	_ = 	snop  }
0x72: {  	[tilespmem:s22], [sflag:$0x1] =	stream.indirect.gather [spmem:s1], $0x40, s21, s20, $0xb8;
	[tilespmem:$0x18600] =	vst v63  }
0x73: {  	_ =	swait.ge [sflag:s23], $0x2000  }
0x74: {  	[sflag:s23] =	ssyncset.done $0x0  }
0x75: {  	[sflag:s23] =	ssyncadd.s32 $0xFFFFE000  }
0x76: {  	_ =	swait.ge [sflag:s23], $0x2000  }
0x77: {  	[sflag:s23] =	ssyncset.done $0x0  }
0x78: {  	[sflag:s23] =	ssyncadd.s32 $0xFFFFE000  }
0x79: {  	_ =	swait.ge [sflag:s23], $0x2000  }
0x7a: {  	[sflag:s23] =	ssyncset.done $0x0  }
0x7b: {  	[sflag:s23] =	ssyncadd.s32 $0xFFFFE000  }
0x7c: {  	_ =	swait.ge [sflag:s23], $0x2000  }
0x7d: {  	[sflag:s23] =	ssyncset.done $0x0  }
0x7e: {  	[sflag:s23] =	ssyncadd.s32 $0xFFFFE000  }
0x7f: {  	_ =	swait.ge [sflag:s23], $0x2000  }
0x80: {  	[sflag:s23] =	ssyncset.done $0x0  }
0x81: {  	[sflag:s23] =	ssyncadd.s32 $0xFFFFE000  }
0x82: {  	s24 =	sadd.s32 $0x1, s24;
	_ =	swait.ge [sflag:s23], $0x1000  }
0x83: {  	p1 =	sne.s32 s24, s4;
	[sflag:s23] =	ssyncset.done $0x0  }
.Ltmp1:
0x84: {  	[sflag:s23] =	ssyncadd.s32 $0xFFFFF000;
	(pc) =	sbr.rel @p1 .LBB2_1-.Ltmp1, $4  }
0x85: {  	[hbm4b:s25+s2] =	stream.linear.scatter [tilespmem:s11], [sflag:$0x2], $0xB000, $0x38;
	[tilespmem:$0x18600] =	vst v63  }
0x86: {  	_ =	swait.ge [sflag:s9], $0xB000  }
0x87: {  	[sflag:s9] =	ssyncset.done $0x0  }
0x88: {  	[sflag:s9] =	ssyncadd.s32 $0xFFFF5000  }
0x89: {  	_ =	sfence.sel $0x180000  }
0x8a: {  	[bflag:$0x0] =	sbarrier.arrive $0xFFFF  }
0x8b: {  	_ =	strace $0x90000047  }
0x8c: {  	s0 =	sadd.s32 @!p0 $0x100000, s0;
	[bflag:$0x2] =	sbarrier.arrive $0xFFFF  }
0x8d: {  	[sflag:s0] =	ssyncadd.tile.s32 @!p0 $0x1;
	_ =	shalt  }
.Lfunc_end2:
_tile_overlayer_lowered:
.L_overlay_start_2:
0x8e: {  	(tag) =	ssettag $0x2  }
0x8f: {  	s0 =	rddreg [dreg:$0x0];
	s2 =	stileid.u32  }
0x90: {  	s1 =	rddreg [dreg:$0x1];
	p0 =	sne.s32 s2, $0x0  }
0x91: {  	s3 =	rddreg [dreg:$0x2];
	[bflag:$0x3] =	sbarrier.arrive $0xFFFF;
	s2 =	simm.s32 @!p0 $0x1C02  }
0x92: {  	[timem:s3], [sflag:s2] =	dma.local @!p0 [hbm:s0], s1  }
0x93: {  	s0 =	simm.s32 @!p0 $0x2  }
0x94: {  	_ =	swait.ge @!p0 [sflag:s0], s1  }
0x95: {  	s1 =	ssub.s32 @!p0 $0x0, s1;
	[sflag:s0] =	ssyncset.done @!p0 $0x0  }
0x96: {  	[sflag:s0] =	ssyncadd.s32 @!p0 s1  }
0x97: {  	[bflag:$0x3] =	sbarrier.arrive $0xFFFF  }
0x98: {  	_ =	shalt  }

// kernel: sparse-core-data-format-call.cloned.1.call-start
scs
called_computation_lowered:
.L_overlay_start_0:
0x0: {  	s2 =	sld [smem:$0x3FD9]  }
0x1: {  	s3 =	sld [smem:$0x3FFE];
	_ =	sdelay $0x1  }
0x2: {  	s1 =	srdreg.scid  }
0x3: {  	s0 =	sand.u32 $0x1, s1  }
0x4: {  	s18 =	sshll.u32 s0, $0xA;
	s2 =	sadd.s32 s3, s2  }
0x5: {  	s2 =	sadd.s32 s2, s18  }
0x6: {  	[smem:$0x3FAC] =	sst s2  }
0x7: {  	_ = 	snop  }
0x8: {  	s2 =	sld [smem:$0x3FD0];
	(tm) =	ssettm $0x1  }
0x9: {  	s19 =	sld [smem:$0x3FFB];
	_ =	sdelay $0x3  }
0xa: {  	_ =	strace s19  }
0xb: {  	s3 =	sld [smem:$0x3FFC];
	_ =	sdelay $0x3  }
0xc: {  	_ =	strace s3  }
0xd: {  	s3 =	sld [smem:$0x3FFD];
	_ =	sdelay $0x3  }
0xe: {  	_ =	strace s3  }
0xf: {  	_ =	strace $0x8FFFFFFF  }
0x10: {  	s20 =	sld [smem:$0x3FDB];
	_ =	sdelay $0x1  }
0x11: {  	s4 =	simm.s32 $_scs_section_size  }
0x12: {  	s5 =	simm.s32 $_size__tile_overlayer_lowered;
	s6 =	simm.s32 $_tile_overlayer_lowered  }
0x13: {  	s23 =	simm.s32 $0x1BFF;
	s22 =	sshll.u32 s6, $0x1;
	s3 =	sadd.s32 s4, s20  }
0x14: {  	s7 =	simm.s32 $0x0;
	s21 =	sshll.u32 s5, $0x1;
	s5 =	sadd.s32 s22, s3  }
0x15: {  	[timem:s7], [sflag:s23] =	dma.local [hbm:s5], s21  }
0x16: {  	_ =	swait.ge [sflag:s23], s21  }
0x17: {  	s4 =	ssub.s32 $0x0, s21;
	[sflag:s23] =	ssyncset.done $0x0  }
0x18: {  	[sflag:s23] =	ssyncadd.s32 s4;
	_ =	sdelay $0x1  }
0x19: {  	s24 =	simm.s32 $0x1B8B  }
0x1a: {  	_ =	swait.ge [sflag:s24], $0x1  }
0x1b: {  	[sflag:s24] =	ssyncset.done $0x0  }
0x1c: {  	s26 =	simm.s32 $0x1B8E;
	s25 =	sld [smem:$0x3FFE];
	[sflag:s24] =	ssyncadd.s32 $0xFFFFFFFF  }
0x1d: {  	s27 =	simm.s32 $execute0_lowered;
	[smem:$0x3FD2] =	sst s26  }
0x1e: {  	s5 =	sshll.u32 s27, $0x1;
	_ =	strace $0x80000049;
	[dreg:$0x1] =	wrdreg $0xFFFFFFFF  }
0x1f: {  	s28 =	simm.s32 $_size_execute0_lowered;
	s3 =	sadd.s32 s3, s5;
	[dreg:$0x0] =	wrdreg $0x0  }
0x20: {  	s5 =	sshll.u32 s28, $0x1;
	[dreg:$0x2] =	wrdreg s3  }
0x21: {  	[dreg:$0x3] =	wrdreg s5  }
0x22: {  	[dreg:$0x4] =	wrdreg $0xC0  }
0x23: {  	_ =	task [dreg:s7], $0x5FFFF  }
0x24: {  	[dreg:$0x1] =	wrdreg $0xFFFFFFFF  }
0x25: {  	[dreg:$0x0] =	wrdreg $0x60  }
0x26: {  	[dreg:$0x2] =	wrdreg s25  }
0x27: {  	[dreg:$0x3] =	wrdreg s2  }
0x28: {  	[dreg:$0x4] =	wrdreg $0x9  }
0x29: {  	_ =	task.clear_ibuf [dreg:s7], $0x5FFFF;
	_ =	strace $0x90000049  }
0x2a: {  	s29 =	simm.s32 $0x9;
	_ =	strace $0x8000004B  }
0x2b: {  	_ =	swait.ge [sflag:s29], $0x1  }
0x2c: {  	[sflag:s29] =	ssyncadd.s32 $0xFFFFFFFF  }
0x2d: {  	_ =	strace $0x9000004B  }
0x2e: {  	_ =	sfence  }
0x2f: {  	s30 =	sld [smem:$0x0];
	_ =	sdelay $0x2  }
0x30: {  	s31 =	sshll.u32 s1, $0xD;
	s1 =	sshrl.u32 s1, $0x2  }
0x31: {  	s3 =	sand.u32 $0x4000, s31;
	s1 =	sadd.s32 s1, s30  }
0x32: {  	s0 =	sor.u32 s3, s0;
	s1 =	sshll.u32 s1, $0x11  }
0x33: {  	s0 =	sor.u32 s1, s0  }
0x34: {  	s0 =	sadd.s32 $0x8F2B, s0  }
0x35: {  	[sflag:s0] =	ssyncadd.remote.s32 $0x1  }
0x36: {  	_ =	sfence.sel $0xFFFF  }
0x37: {  	[dreg:$0x0] =	wrdreg $0xFFFFFFFF;
	(pc) =	sbr.abs _section_cstart, $3  }
0x38: {  	[dreg:$0x1] =	wrdreg $0xFFFFFFFF  }
0x39: {  	_ =	task.clear_ibuf [dreg:s7], $0x2FFFF;
	_ =	strace $0x9FFFFFFF  }
0x3a: {  	(tm) =	ssettm $0x7FFFFFFF  }
0x3b: {  	_ =	shalt  }
tec
execute0_lowered:
.L_overlay_start_1:
0x0: {  	(tag) =	ssettag $0x1  }
0x1: {  	s0 =	srdreg.scid  }
0x2: {  	s1 =	sshll.u32 s0, $0x4  }
0x3: {  	s0 =	stileid.u32;
	s1 =	sand.u32 $0x10, s1  }
0x4: {  	s1 =	sor.u32 s0, s1  }
0x5: {  	s6 =	rddreg [dreg:$0x0];
	s4 =	simm.s32 $0x1;
	s2 =	sshll.u32 s1, $0x7  }
0x6: {  	s7 =	simm.s32 $0x2;
	s12 =	simm.s32 $0x0;
	s1 =	ssub.s32 $0x4000, s2  }
0x7: {  	s8 =	simm.s32 $0x20000;
	s13 =	simm.s32 $0x0;
	s3 =	sand.u32 $0xF80, s1  }
0x8: {  	s9 =	simm.s32 $0x0;
	s5 =	sshrl.u32 s1, $0xC;
	p0 =	sne.s32 s3, $0x0  }
.Ltmp0:
0x9: {  	s1 =	rddreg [dreg:$0x2];
	s4 =	simm.s32 @!p0 $0x0;
	(pc) =	sbr.rel .LBB1_1-.Ltmp0, $4  }
0xa: {  	s11 =	simm.s32 $0x0;
	s3 =	rddreg [dreg:$0x1];
	s5 =	sadd.s32 s4, s5  }
0xb: {  	_ =	strace $0x8000004A;
	s4 =	simm.s32 $0x1;
	s5 =	smul.u32 $0x9A, s5  }
0xc: {  	s6 =	sadd.s32 $0x4A00, s6;
	s10 =	smov.u32 s2;
	[sflag:s4] =	ssyncpa.u1 $0x0  }
0xd: {  	p0 =	por $0x0, $0x0;
	[sflag:s7] =	ssyncpa.u1 $0x0;
	s7 =	sor.u32 $0x1, s5  }
.LBB1_4:
0xe: {  	s16 =	sshll.u32 s13, $0x3;
	s17 =	sand.u32 $0x78, s13  }
0xf: {  	s30 =	sand.u32 $0x1F800, s13;
	s12 =	sshll.u32 s12, $0x11;
	s16 =	sand.u32 $0x3C00, s16  }
0x10: {  	[tilespmem:s15+$0x810 ss:$0x81] =	vst.msk $0xffff, v2;
	s31 =	sand.u32 $0x7, s13;
	s16 =	sor.u32 s17, s16;
	s17 =	sadd.s32 s3, s30  }
0x11: {  	[tilespmem:s15+$0x1020 ss:$0x81] =	vst.msk $0xffff, v0;
	s13 =	sshll.u32 s31, $0x12;
	s12 =	sadd.s32 s12, s17;
	s16 =	sshrl.u32 s16, $0x3  }
0x12: {  	[tilespmem:s15+$0x0 ss:$0x81] =	vst.msk $0xffff, v1;
	s13 =	sor.u32 $0x400, s13;
	s12 =	sadd.s32 s16, s12  }
0x13: {  	[hbm4b:s12+s13] =	stream.strided.scatter [tilespmem:s14], [sflag:$0x2], $0x2000, s8, s13, $0x20;
	[tilespmem:$0x8080] =	vst v63  }
.LBB1_5:
0x14: {  	s14 =	sadd.s32 $0x1, s9  }
0x15: {  	s12 =	sadd.s32 $0x1000, s10;
	s16 =	smov.u32 s10;
	p2 =	sgt.s32 s14, $0x99  }
0x16: {  	s16 =	smov.u32 @p2 s12  }
0x17: {  	s14 =	simm.s32 @p2 $0x0;
	p2 =	sgt.s32 s16, $0x3FFF  }
0x18: {  	s16 =	smov.u32 @p2 s2;
	p2 =	sne.s32 s11, s7  }
.Ltmp1:
0x19: {  	p1 =	slt.u32 s11, $0x2;
	(pc) =	sbr.rel @!p2 .LBB1_6-.Ltmp1, $4  }
0x1a: {  	s15 =	simm.s32 @!p1 $0x2  }
0x1b: {  	s13 =	smov.u32 s10;
	p0 =	por !p0, !p0;
	_ =	swait.ge @!p1 [sflag:s15], $0x2000  }
0x1c: {  	s12 =	smov.u32 s9;
	[sflag:s15] =	ssyncset.done @!p1 $0x0;
	s9 =	smov.u32 s14  }
0x1d: {  	s11 =	sadd.s32 $0x1, s11;
	[sflag:s15] =	ssyncadd.s32 @!p1 $0xFFFFE000;
	s10 =	smov.u32 s16  }
.LBB1_1:
0x1e: {  	p1 =	sge.u32 s11, s5  }
0x1f: {  	s14 =	sand.u32 @!p1 $0x1FFFFFF, s9  }
0x20: {  	s15 =	smulhi.u32 @!p1 $0x199999A, s14;
	_ =	sdelay $0x1  }
0x21: {  	s15 =	smul.u32 @!p1 $0xA0, s15  }
0x22: {  	s16 =	sxor.u32 @!p1 $0xFFFFFFFF, s11;
	s17 =	smul.u32 @!p1 $0xA00, s10  }
0x23: {  	s31 =	sadd.s32 $0xFFFFFFFF, s11;
	s16 =	sshll.u32 @!p1 s16, $0xD;
	s14 =	ssub.s32 @!p1 s14, s15  }
0x24: {  	s15 =	sand.u32 @!p1 $0x2000, s16;
	s16 =	sadd.s32 @!p1 s6, s17;
	s14 =	sshll.u32 @!p1 s14, $0x4  }
0x25: {  	s17 =	simm.s32 @!p1 $0x5000;
	s14 =	sadd.s32 @!p1 s14, s16;
	s16 =	simm.s32 @!p1 $0x40  }
0x26: {  	[tilespmem:s15], [sflag:$0x1] =	stream.strided.gather @!p1 [hbm4b:s14+s16], $0x2000, s17, s16, $0x38;
	[tilespmem:$0x8080] =	vst v63  }
0x27: {  	p1 =	sge.u32 s31, s5  }
.Ltmp2:
0x28: {  	_ = 	snop;
	(pc) =	sbr.rel @p1 .LBB1_5-.Ltmp2, $1  }
0x29: {  	_ =	sdelay $0x3  }
0x2a: {  	s14 =	simm.s32 $0x1  }
0x2b: {  	_ =	swait.ge [sflag:s4], $0x2000;
	s14 =	simm.s32 @!p0 $0x0  }
0x2c: {  	[sflag:s4] =	ssyncset.done $0x0;
	s15 =	sshll.u32 s14, $0xD  }
0x2d: {  	[sflag:s4] =	ssyncadd.s32 $0xFFFFE000;
	s18 =	sor.u32 $0x20, s15  }
0x2e: {  	s14 =	smul.u32 $0x8100, s14;
	v3 =	vld [tilespmem:s18+$0x10]  }
0x2f: {  	s30 =	sand.u32 $0x1, s11;
	v2 =	vld [tilespmem:s18+$0xFFFFFFF0]  }
0x30: {  	s15 =	smul.u32 $0x8100, s30;
	s14 =	sshrl.u32 s14, $0x2;
	v0 =	vld [tilespmem:s18+$0x0]  }
0x31: {  	v1 =	vld [tilespmem:s18+$0xFFFFFFE0];
	s16 =	sor.u32 $0x4000, s14  }
0x32: {  	s31 =	sshrl.u32 s15, $0x2;
	s15 =	sadd.s32 $0x0, s16  }
0x33: {  	s17 =	simm.s32 $0x4;
	s18 =	sadd.s32 $0x40, s18;
	s14 =	sor.u32 $0x4000, s31;
	[tilespmem:s15+$0x1830 ss:$0x81] =	vst.msk $0xffff, v3  }
.LBB1_3:
0x34: {  	v3 =	vld [tilespmem:s18+$0x10];
	p1 =	sne.s32 s17, $0x1FC;
	[tilespmem:s15+$0x810 ss:$0x81] =	vst.msk $0xffff, v2;
	s19 =	smov.u32 s17;
	s17 =	sadd.s32 $0x4, s17  }
.Ltmp3:
0x35: {  	v2 =	vld [tilespmem:s18+$0xFFFFFFF0];
	[tilespmem:s15+$0x1020 ss:$0x81] =	vst.msk $0xffff, v0;
	(pc) =	sbr.rel @p1 .LBB1_3-.Ltmp3, $4  }
0x36: {  	v0 =	vld [tilespmem:s18+$0x0];
	[tilespmem:s15+$0x0 ss:$0x81] =	vst.msk $0xffff, v1  }
0x37: {  	s15 =	sshra.s32 s19, $0x2;
	v1 =	vld [tilespmem:s18+$0xFFFFFFE0]  }
0x38: {  	s15 =	sadd.s32 s15, s16  }
0x39: {  	s18 =	sadd.s32 $0x40, s18;
	[tilespmem:s15+$0x1830 ss:$0x81] =	vst.msk $0xffff, v3  }
.Ltmp4:
0x3a: {  	_ = 	snop;
	(pc) =	sbr.rel .LBB1_4-.Ltmp4, $1  }
0x3b: {  	_ =	sdelay $0x3  }
.LBB1_6:
0x3c: {  	_ =	sfence.sel $0x180000  }
0x3d: {  	s2 =	simm.s32 $0x1;
	[bflag:$0x0] =	sbarrier.arrive $0xFFFF  }
0x3e: {  	s31 =	simm.s32 $0x2;
	[sflag:s2] =	ssyncpa.u1 $0x1  }
0x3f: {  	[sflag:s31] =	ssyncpa.u1 $0x1  }
0x40: {  	p0 =	sne.s32 s0, $0x0;
	_ =	strace $0x9000004A  }
0x41: {  	s0 =	sadd.s32 @!p0 $0x100000, s1;
	[bflag:$0x2] =	sbarrier.arrive $0xFFFF  }
0x42: {  	[sflag:s0] =	ssyncadd.tile.s32 @!p0 $0x1;
	_ =	shalt  }
.Lfunc_end1:
_tile_overlayer_lowered:
.L_overlay_start_2:
0x43: {  	(tag) =	ssettag $0x2  }
0x44: {  	s0 =	rddreg [dreg:$0x0];
	s2 =	stileid.u32  }
0x45: {  	s1 =	rddreg [dreg:$0x1];
	p0 =	sne.s32 s2, $0x0  }
0x46: {  	s3 =	rddreg [dreg:$0x2];
	[bflag:$0x3] =	sbarrier.arrive $0xFFFF;
	s2 =	simm.s32 @!p0 $0x1C01  }
0x47: {  	[timem:s3], [sflag:s2] =	dma.local @!p0 [hbm:s0], s1  }
0x48: {  	s0 =	simm.s32 @!p0 $0x1  }
0x49: {  	_ =	swait.ge @!p0 [sflag:s0], s1  }
0x4a: {  	s1 =	ssub.s32 @!p0 $0x0, s1;
	[sflag:s0] =	ssyncset.done @!p0 $0x0  }
0x4b: {  	[sflag:s0] =	ssyncadd.s32 @!p0 s1  }
0x4c: {  	[bflag:$0x3] =	sbarrier.arrive $0xFFFF  }
0x4d: {  	_ =	shalt  }

</sc_bundles>
